<compile_context>
chip_gen: v7x
topology: tpu7x:2x2x1
jax: 0.10.2.dev20260603
libtpu: 0.0.44.dev20260713+nightly
codegen_flags: <defaults>
</compile_context>

<pallas_src>
import functools
import math

import jax
import jax.numpy as jnp
import numpy as np
from jax import lax
from jax.experimental import pallas as pl
from jax.experimental.pallas import tpu as pltpu
from jax.experimental.pallas import tpu_sc as plsc

VOCAB = 100000
D_MODEL = 512
MAX_LEN = 2048
BATCH = 4
SEQ = 2048

NUM_CORES = 2
NUM_SUBCORES = 16
NW = NUM_CORES * NUM_SUBCORES
PPW = SEQ // NW
HALF = 32
NCH = BATCH * (PPW // HALF)
NBUF = 4
LANES = 16
VPR = D_MODEL // LANES
SCALE = math.sqrt(D_MODEL)


def _make_pe():
    position = np.arange(MAX_LEN, dtype=np.float32)[:, None]
    div_term = np.exp(
        np.arange(0, D_MODEL, 2, dtype=np.float32) * (-math.log(10000.0) / D_MODEL)
    )
    pe = np.zeros((MAX_LEN, D_MODEL), dtype=np.float32)
    pe[:, 0::2] = np.sin(position * div_term)
    pe[:, 1::2] = np.cos(position * div_term)
    return pe


_PE = _make_pe()

_mesh = plsc.VectorSubcoreMesh(core_axis_name="c", subcore_axis_name="s")


@functools.partial(
    pl.kernel,
    mesh=_mesh,
    out_type=jax.ShapeDtypeStruct((BATCH * SEQ, D_MODEL), jnp.float32),
    scratch_types=[
        pltpu.VMEM((BATCH, PPW), jnp.int32),
        pltpu.VMEM((PPW, D_MODEL), jnp.float32),
    ]
    + [pltpu.VMEM((HALF, D_MODEL), jnp.float32) for _ in range(NBUF)]
    + [pltpu.SemaphoreType.DMA for _ in range(2 * NBUF)],
)
def _embed(x_hbm, table_hbm, pe_hbm, out_hbm,
           idx_v, pe_v, v0, v1, v2, v3,
           g0, g1, g2, g3, o0, o1, o2, o3):
    wid = lax.axis_index("s") * NUM_CORES + lax.axis_index("c")
    p0 = wid * PPW

    bufs = (v0, v1, v2, v3)
    gsems = (g0, g1, g2, g3)
    osems = (o0, o1, o2, o3)

    for b in range(BATCH):
        pltpu.sync_copy(x_hbm.at[pl.ds(b * SEQ + p0, PPW)], idx_v.at[b])

    def fire_gather(c):
        s = c % NBUF
        b, h = divmod(c, PPW // HALF)
        return pltpu.async_copy(
            table_hbm.at[idx_v.at[b, pl.ds(h * HALF, HALF)]], bufs[s], gsems[s]
        )

    gathers = [None] * NCH
    outs = [None] * NCH

    for c in range(3):
        gathers[c] = fire_gather(c)
    pltpu.sync_copy(pe_hbm.at[pl.ds(p0, PPW)], pe_v)

    for c in range(NCH):
        s = c % NBUF
        if c + 3 < NCH:
            if c >= 1:
                outs[c - 1].wait()
            gathers[c + 3] = fire_gather(c + 3)
        gathers[c].wait()
        b, h = divmod(c, PPW // HALF)
        outs[c] = pltpu.async_copy(
            bufs[s], out_hbm.at[pl.ds(b * SEQ + p0 + h * HALF, HALF)], osems[s]
        )

    for c in range(NCH - 3, NCH):
        outs[c].wait()


def kernel(x, table):
    out = _embed(x.reshape(BATCH * SEQ), table, jnp.asarray(_PE))
    return out.reshape(BATCH, SEQ, D_MODEL)

# --- scband reference (transcript-rebuilt; emitter-appended) ---
"""Pipeline reference for scband-transformer-embedding-27195732918333 (READ-ONLY COPY).

The authoritative reference and input builder live on the scoring server;
editing this copy changes nothing except your own understanding.
"""

import jax, jax.numpy as jnp
import numpy as np
import math

VOCAB = 100000
D_MODEL = 512
MAX_LEN = 2048
BATCH = 4
SEQ = 2048


def make_positional_encoding(max_len, d_model):
    position = np.arange(max_len, dtype=np.float32)[:, None]
    div_term = np.exp(np.arange(0, d_model, 2, dtype=np.float32) * (-math.log(10000.0) / d_model))
    pe = np.zeros((max_len, d_model), dtype=np.float32)
    pe[:, 0::2] = np.sin(position * div_term)
    pe[:, 1::2] = np.cos(position * div_term)
    return jnp.asarray(pe)


def setup_inputs(seed: int = 0) -> dict:
    key = jax.random.key(seed)
    k1, k2 = jax.random.split(key)
    x = jax.random.randint(k1, (BATCH, SEQ), 0, VOCAB, dtype=jnp.int32)
    # token embedding table, N(0,1) init like nn.Embedding; padding_idx=0 row zeroed
    table = jax.random.normal(k2, (VOCAB, D_MODEL), dtype=jnp.float32)
    table = table.at[0].set(0.0)
    return {"x": x, "table": table}


def reference(x, table):
    pe = make_positional_encoding(MAX_LEN, D_MODEL)
    scale = math.sqrt(D_MODEL)
    # gather: embedding lookup
    token_emb = jnp.take(table, x, axis=0) * scale
    seq_len = x.shape[1]
    out = token_emb + pe[None, :seq_len, :]
    # dropout=0.0 -> identity
    return out

if __name__ == "__main__":
    import jax
    _d = setup_inputs()
    print(jax.jit(kernel)(*tuple(_d.values())))

</pallas_src>

<mosaic_0001>
#map = affine_map<(d0, d1) -> (0)>
#map1 = affine_map<(d0, d1) -> (0, 0)>
module attributes {stable_mosaic.version = 14 : i64} {
  func.func @_embed(%arg0: i32, %arg1: i32, %arg2: memref<8192xi32, #tpu.memory_space<hbm>>, %arg3: memref<100000x512xf32, #tpu.memory_space<hbm>>, %arg4: memref<2048x512xf32, #tpu.memory_space<hbm>>, %arg5: memref<8192x512xf32, #tpu.memory_space<hbm>>, %arg6: memref<4x64xi32, #tpu.memory_space<vmem>>, %arg7: memref<64x512xf32, #tpu.memory_space<vmem>>, %arg8: memref<32x512xf32, #tpu.memory_space<vmem>>, %arg9: memref<32x512xf32, #tpu.memory_space<vmem>>, %arg10: memref<32x512xf32, #tpu.memory_space<vmem>>, %arg11: memref<32x512xf32, #tpu.memory_space<vmem>>, %arg12: memref<!tpu.dma_semaphore, #tpu.memory_space<semaphore_mem>>, %arg13: memref<!tpu.dma_semaphore, #tpu.memory_space<semaphore_mem>>, %arg14: memref<!tpu.dma_semaphore, #tpu.memory_space<semaphore_mem>>, %arg15: memref<!tpu.dma_semaphore, #tpu.memory_space<semaphore_mem>>, %arg16: memref<!tpu.dma_semaphore, #tpu.memory_space<semaphore_mem>>, %arg17: memref<!tpu.dma_semaphore, #tpu.memory_space<semaphore_mem>>, %arg18: memref<!tpu.dma_semaphore, #tpu.memory_space<semaphore_mem>>, %arg19: memref<!tpu.dma_semaphore, #tpu.memory_space<semaphore_mem>>) attributes {dimension_semantics = [#tpu.dimension_semantics<core_parallel>, #tpu.dimension_semantics<subcore_parallel>], iteration_bounds = array<i64: 2, 16>, scalar_prefetch = 0 : i64, scratch_operands = 14 : i64, tpu.core_type = #tpu.core_type<sc_vector_subcore>, window_params = [{transform_indices = #map}, {transform_indices = #map1}, {transform_indices = #map1}, {transform_indices = #map1}]} {
    %mul3A = arith.constant 2 : i32
    %mul3A_0 = arith.muli %arg1, %mul3A : i32
    %add3A = arith.addi %mul3A_0, %arg0 : i32
    %mul3A_1 = arith.constant 64 : i32
    %mul3A_2 = arith.muli %add3A, %mul3A_1 : i32
    %add3A_3 = arith.constant 0 : i32
    %add3A_4 = arith.addi %add3A_3, %mul3A_2 : i32
    %run_scoped3A = arith.constant 0 : i32
    "tpu.region"() ({
      %run_scoped3A_216 = tpu.sem_alloc : memref<!tpu.dma_semaphore, #tpu.memory_space<semaphore_mem>>
      %dma_start3A_217 = arith.constant 0 : i32
      %dma_start3A_218 = tpu.memref_slice %arg6[%run_scoped3A, %dma_start3A_217] : memref<4x64xi32, #tpu.memory_space<vmem>> -> memref<1x64xi32, #tpu.memory_space<vmem>>
      %dma_start3A_219 = tpu.memref_squeeze %dma_start3A_218 : memref<1x64xi32, #tpu.memory_space<vmem>> -> memref<64xi32, #tpu.memory_space<vmem>>
      %dma_start3A_220 = tpu.memref_slice %arg2[%add3A_4] : memref<8192xi32, #tpu.memory_space<hbm>> -> memref<64xi32, #tpu.memory_space<hbm>>
      %dma_start3A_221 = arith.constant 0 : i32
      %dma_start3A_222 = tpu.memref_slice %arg6[%run_scoped3A, %dma_start3A_221] : memref<4x64xi32, #tpu.memory_space<vmem>> -> memref<1x64xi32, #tpu.memory_space<vmem>>
      %dma_start3A_223 = tpu.memref_squeeze %dma_start3A_222 : memref<1x64xi32, #tpu.memory_space<vmem>> -> memref<64xi32, #tpu.memory_space<vmem>>
      %dma_start3A_224 = tpu.memref_slice %arg2[%add3A_4] : memref<8192xi32, #tpu.memory_space<hbm>> -> memref<64xi32, #tpu.memory_space<hbm>>
      tpu.enqueue_dma source(%dma_start3A_224 : memref<64xi32, #tpu.memory_space<hbm>>) target(%dma_start3A_223 : memref<64xi32, #tpu.memory_space<vmem>>) target_semaphore(%run_scoped3A_216 : memref<!tpu.dma_semaphore, #tpu.memory_space<semaphore_mem>>)
      %dma_wait3A_225 = arith.constant 0 : i32
      %dma_wait3A_226 = tpu.memref_slice %arg6[%run_scoped3A, %dma_wait3A_225] : memref<4x64xi32, #tpu.memory_space<vmem>> -> memref<1x64xi32, #tpu.memory_space<vmem>>
      %dma_wait3A_227 = tpu.memref_squeeze %dma_wait3A_226 : memref<1x64xi32, #tpu.memory_space<vmem>> -> memref<64xi32, #tpu.memory_space<vmem>>
      %dma_wait3A_228 = tpu.memref_slice %arg2[%add3A_4] : memref<8192xi32, #tpu.memory_space<hbm>> -> memref<64xi32, #tpu.memory_space<hbm>>
      %dma_wait3A_229 = arith.constant 0 : i32
      %dma_wait3A_230 = tpu.memref_slice %arg6[%run_scoped3A, %dma_wait3A_229] : memref<4x64xi32, #tpu.memory_space<vmem>> -> memref<1x64xi32, #tpu.memory_space<vmem>>
      %dma_wait3A_231 = tpu.memref_squeeze %dma_wait3A_230 : memref<1x64xi32, #tpu.memory_space<vmem>> -> memref<64xi32, #tpu.memory_space<vmem>>
      %dma_wait3A_232 = tpu.memref_slice %arg2[%add3A_4] : memref<8192xi32, #tpu.memory_space<hbm>> -> memref<64xi32, #tpu.memory_space<hbm>>
      tpu.wait_dma2 semaphore(%run_scoped3A_216 : memref<!tpu.dma_semaphore, #tpu.memory_space<semaphore_mem>>) src(%dma_wait3A_232 : memref<64xi32, #tpu.memory_space<hbm>>) dst(%dma_wait3A_231 : memref<64xi32, #tpu.memory_space<vmem>>)
      tpu.yield
    }) : () -> ()
    %add3A_5 = arith.constant 2048 : i32
    %add3A_6 = arith.addi %add3A_5, %mul3A_2 : i32
    %run_scoped3A_7 = arith.constant 1 : i32
    "tpu.region"() ({
      %run_scoped3A_216 = tpu.sem_alloc : memref<!tpu.dma_semaphore, #tpu.memory_space<semaphore_mem>>
      %dma_start3A_217 = arith.constant 0 : i32
      %dma_start3A_218 = tpu.memref_slice %arg6[%run_scoped3A_7, %dma_start3A_217] : memref<4x64xi32, #tpu.memory_space<vmem>> -> memref<1x64xi32, #tpu.memory_space<vmem>>
      %dma_start3A_219 = tpu.memref_squeeze %dma_start3A_218 : memref<1x64xi32, #tpu.memory_space<vmem>> -> memref<64xi32, #tpu.memory_space<vmem>>
      %dma_start3A_220 = tpu.memref_slice %arg2[%add3A_6] : memref<8192xi32, #tpu.memory_space<hbm>> -> memref<64xi32, #tpu.memory_space<hbm>>
      %dma_start3A_221 = arith.constant 0 : i32
      %dma_start3A_222 = tpu.memref_slice %arg6[%run_scoped3A_7, %dma_start3A_221] : memref<4x64xi32, #tpu.memory_space<vmem>> -> memref<1x64xi32, #tpu.memory_space<vmem>>
      %dma_start3A_223 = tpu.memref_squeeze %dma_start3A_222 : memref<1x64xi32, #tpu.memory_space<vmem>> -> memref<64xi32, #tpu.memory_space<vmem>>
      %dma_start3A_224 = tpu.memref_slice %arg2[%add3A_6] : memref<8192xi32, #tpu.memory_space<hbm>> -> memref<64xi32, #tpu.memory_space<hbm>>
      tpu.enqueue_dma source(%dma_start3A_224 : memref<64xi32, #tpu.memory_space<hbm>>) target(%dma_start3A_223 : memref<64xi32, #tpu.memory_space<vmem>>) target_semaphore(%run_scoped3A_216 : memref<!tpu.dma_semaphore, #tpu.memory_space<semaphore_mem>>)
      %dma_wait3A_225 = arith.constant 0 : i32
      %dma_wait3A_226 = tpu.memref_slice %arg6[%run_scoped3A_7, %dma_wait3A_225] : memref<4x64xi32, #tpu.memory_space<vmem>> -> memref<1x64xi32, #tpu.memory_space<vmem>>
      %dma_wait3A_227 = tpu.memref_squeeze %dma_wait3A_226 : memref<1x64xi32, #tpu.memory_space<vmem>> -> memref<64xi32, #tpu.memory_space<vmem>>
      %dma_wait3A_228 = tpu.memref_slice %arg2[%add3A_6] : memref<8192xi32, #tpu.memory_space<hbm>> -> memref<64xi32, #tpu.memory_space<hbm>>
      %dma_wait3A_229 = arith.constant 0 : i32
      %dma_wait3A_230 = tpu.memref_slice %arg6[%run_scoped3A_7, %dma_wait3A_229] : memref<4x64xi32, #tpu.memory_space<vmem>> -> memref<1x64xi32, #tpu.memory_space<vmem>>
      %dma_wait3A_231 = tpu.memref_squeeze %dma_wait3A_230 : memref<1x64xi32, #tpu.memory_space<vmem>> -> memref<64xi32, #tpu.memory_space<vmem>>
      %dma_wait3A_232 = tpu.memref_slice %arg2[%add3A_6] : memref<8192xi32, #tpu.memory_space<hbm>> -> memref<64xi32, #tpu.memory_space<hbm>>
      tpu.wait_dma2 semaphore(%run_scoped3A_216 : memref<!tpu.dma_semaphore, #tpu.memory_space<semaphore_mem>>) src(%dma_wait3A_232 : memref<64xi32, #tpu.memory_space<hbm>>) dst(%dma_wait3A_231 : memref<64xi32, #tpu.memory_space<vmem>>)
      tpu.yield
    }) : () -> ()
    %add3A_8 = arith.constant 4096 : i32
    %add3A_9 = arith.addi %add3A_8, %mul3A_2 : i32
    %run_scoped3A_10 = arith.constant 2 : i32
    "tpu.region"() ({
      %run_scoped3A_216 = tpu.sem_alloc : memref<!tpu.dma_semaphore, #tpu.memory_space<semaphore_mem>>
      %dma_start3A_217 = arith.constant 0 : i32
      %dma_start3A_218 = tpu.memref_slice %arg6[%run_scoped3A_10, %dma_start3A_217] : memref<4x64xi32, #tpu.memory_space<vmem>> -> memref<1x64xi32, #tpu.memory_space<vmem>>
      %dma_start3A_219 = tpu.memref_squeeze %dma_start3A_218 : memref<1x64xi32, #tpu.memory_space<vmem>> -> memref<64xi32, #tpu.memory_space<vmem>>
      %dma_start3A_220 = tpu.memref_slice %arg2[%add3A_9] : memref<8192xi32, #tpu.memory_space<hbm>> -> memref<64xi32, #tpu.memory_space<hbm>>
      %dma_start3A_221 = arith.constant 0 : i32
      %dma_start3A_222 = tpu.memref_slice %arg6[%run_scoped3A_10, %dma_start3A_221] : memref<4x64xi32, #tpu.memory_space<vmem>> -> memref<1x64xi32, #tpu.memory_space<vmem>>
      %dma_start3A_223 = tpu.memref_squeeze %dma_start3A_222 : memref<1x64xi32, #tpu.memory_space<vmem>> -> memref<64xi32, #tpu.memory_space<vmem>>
      %dma_start3A_224 = tpu.memref_slice %arg2[%add3A_9] : memref<8192xi32, #tpu.memory_space<hbm>> -> memref<64xi32, #tpu.memory_space<hbm>>
      tpu.enqueue_dma source(%dma_start3A_224 : memref<64xi32, #tpu.memory_space<hbm>>) target(%dma_start3A_223 : memref<64xi32, #tpu.memory_space<vmem>>) target_semaphore(%run_scoped3A_216 : memref<!tpu.dma_semaphore, #tpu.memory_space<semaphore_mem>>)
      %dma_wait3A_225 = arith.constant 0 : i32
      %dma_wait3A_226 = tpu.memref_slice %arg6[%run_scoped3A_10, %dma_wait3A_225] : memref<4x64xi32, #tpu.memory_space<vmem>> -> memref<1x64xi32, #tpu.memory_space<vmem>>
      %dma_wait3A_227 = tpu.memref_squeeze %dma_wait3A_226 : memref<1x64xi32, #tpu.memory_space<vmem>> -> memref<64xi32, #tpu.memory_space<vmem>>
      %dma_wait3A_228 = tpu.memref_slice %arg2[%add3A_9] : memref<8192xi32, #tpu.memory_space<hbm>> -> memref<64xi32, #tpu.memory_space<hbm>>
      %dma_wait3A_229 = arith.constant 0 : i32
      %dma_wait3A_230 = tpu.memref_slice %arg6[%run_scoped3A_10, %dma_wait3A_229] : memref<4x64xi32, #tpu.memory_space<vmem>> -> memref<1x64xi32, #tpu.memory_space<vmem>>
      %dma_wait3A_231 = tpu.memref_squeeze %dma_wait3A_230 : memref<1x64xi32, #tpu.memory_space<vmem>> -> memref<64xi32, #tpu.memory_space<vmem>>
      %dma_wait3A_232 = tpu.memref_slice %arg2[%add3A_9] : memref<8192xi32, #tpu.memory_space<hbm>> -> memref<64xi32, #tpu.memory_space<hbm>>
      tpu.wait_dma2 semaphore(%run_scoped3A_216 : memref<!tpu.dma_semaphore, #tpu.memory_space<semaphore_mem>>) src(%dma_wait3A_232 : memref<64xi32, #tpu.memory_space<hbm>>) dst(%dma_wait3A_231 : memref<64xi32, #tpu.memory_space<vmem>>)
      tpu.yield
    }) : () -> ()
    %add3A_11 = arith.constant 6144 : i32
    %add3A_12 = arith.addi %add3A_11, %mul3A_2 : i32
    %run_scoped3A_13 = arith.constant 3 : i32
    "tpu.region"() ({
      %run_scoped3A_216 = tpu.sem_alloc : memref<!tpu.dma_semaphore, #tpu.memory_space<semaphore_mem>>
      %dma_start3A_217 = arith.constant 0 : i32
      %dma_start3A_218 = tpu.memref_slice %arg6[%run_scoped3A_13, %dma_start3A_217] : memref<4x64xi32, #tpu.memory_space<vmem>> -> memref<1x64xi32, #tpu.memory_space<vmem>>
      %dma_start3A_219 = tpu.memref_squeeze %dma_start3A_218 : memref<1x64xi32, #tpu.memory_space<vmem>> -> memref<64xi32, #tpu.memory_space<vmem>>
      %dma_start3A_220 = tpu.memref_slice %arg2[%add3A_12] : memref<8192xi32, #tpu.memory_space<hbm>> -> memref<64xi32, #tpu.memory_space<hbm>>
      %dma_start3A_221 = arith.constant 0 : i32
      %dma_start3A_222 = tpu.memref_slice %arg6[%run_scoped3A_13, %dma_start3A_221] : memref<4x64xi32, #tpu.memory_space<vmem>> -> memref<1x64xi32, #tpu.memory_space<vmem>>
      %dma_start3A_223 = tpu.memref_squeeze %dma_start3A_222 : memref<1x64xi32, #tpu.memory_space<vmem>> -> memref<64xi32, #tpu.memory_space<vmem>>
      %dma_start3A_224 = tpu.memref_slice %arg2[%add3A_12] : memref<8192xi32, #tpu.memory_space<hbm>> -> memref<64xi32, #tpu.memory_space<hbm>>
      tpu.enqueue_dma source(%dma_start3A_224 : memref<64xi32, #tpu.memory_space<hbm>>) target(%dma_start3A_223 : memref<64xi32, #tpu.memory_space<vmem>>) target_semaphore(%run_scoped3A_216 : memref<!tpu.dma_semaphore, #tpu.memory_space<semaphore_mem>>)
      %dma_wait3A_225 = arith.constant 0 : i32
      %dma_wait3A_226 = tpu.memref_slice %arg6[%run_scoped3A_13, %dma_wait3A_225] : memref<4x64xi32, #tpu.memory_space<vmem>> -> memref<1x64xi32, #tpu.memory_space<vmem>>
      %dma_wait3A_227 = tpu.memref_squeeze %dma_wait3A_226 : memref<1x64xi32, #tpu.memory_space<vmem>> -> memref<64xi32, #tpu.memory_space<vmem>>
      %dma_wait3A_228 = tpu.memref_slice %arg2[%add3A_12] : memref<8192xi32, #tpu.memory_space<hbm>> -> memref<64xi32, #tpu.memory_space<hbm>>
      %dma_wait3A_229 = arith.constant 0 : i32
      %dma_wait3A_230 = tpu.memref_slice %arg6[%run_scoped3A_13, %dma_wait3A_229] : memref<4x64xi32, #tpu.memory_space<vmem>> -> memref<1x64xi32, #tpu.memory_space<vmem>>
      %dma_wait3A_231 = tpu.memref_squeeze %dma_wait3A_230 : memref<1x64xi32, #tpu.memory_space<vmem>> -> memref<64xi32, #tpu.memory_space<vmem>>
      %dma_wait3A_232 = tpu.memref_slice %arg2[%add3A_12] : memref<8192xi32, #tpu.memory_space<hbm>> -> memref<64xi32, #tpu.memory_space<hbm>>
      tpu.wait_dma2 semaphore(%run_scoped3A_216 : memref<!tpu.dma_semaphore, #tpu.memory_space<semaphore_mem>>) src(%dma_wait3A_232 : memref<64xi32, #tpu.memory_space<hbm>>) dst(%dma_wait3A_231 : memref<64xi32, #tpu.memory_space<vmem>>)
      tpu.yield
    }) : () -> ()
    %dma_start3A = arith.constant 0 : i32
    %dma_start3A_14 = arith.constant 0 : i32
    %dma_start3A_15 = tpu.memref_slice %arg6[%dma_start3A, %dma_start3A_14] : memref<4x64xi32, #tpu.memory_space<vmem>> -> memref<1x32xi32, #tpu.memory_space<vmem>>
    %dma_start3A_16 = tpu.memref_squeeze %dma_start3A_15 : memref<1x32xi32, #tpu.memory_space<vmem>> -> memref<32xi32, #tpu.memory_space<vmem>>
    %dma_start3A_17 = arith.constant 0 : i32
    %dma_start3A_18 = arith.constant 0 : i32
    %dma_start3A_19 = tpu.memref_slice %arg3[%dma_start3A_17, %dma_start3A_18] : memref<100000x512xf32, #tpu.memory_space<hbm>> -> memref<100000x512xf32, #tpu.memory_space<hbm>>
    tpu.enqueue_indirect_dma source(%dma_start3A_19 : memref<100000x512xf32, #tpu.memory_space<hbm>>) target(%arg8 : memref<32x512xf32, #tpu.memory_space<vmem>>) offsets(%dma_start3A_16 : memref<32xi32, #tpu.memory_space<vmem>>) semaphore(%arg12 : memref<!tpu.dma_semaphore, #tpu.memory_space<semaphore_mem>>)
    %dma_start3A_20 = arith.constant 0 : i32
    %dma_start3A_21 = arith.constant 32 : i32
    %dma_start3A_22 = tpu.memref_slice %arg6[%dma_start3A_20, %dma_start3A_21] : memref<4x64xi32, #tpu.memory_space<vmem>> -> memref<1x32xi32, #tpu.memory_space<vmem>>
    %dma_start3A_23 = tpu.memref_squeeze %dma_start3A_22 : memref<1x32xi32, #tpu.memory_space<vmem>> -> memref<32xi32, #tpu.memory_space<vmem>>
    %dma_start3A_24 = arith.constant 0 : i32
    %dma_start3A_25 = arith.constant 0 : i32
    %dma_start3A_26 = tpu.memref_slice %arg3[%dma_start3A_24, %dma_start3A_25] : memref<100000x512xf32, #tpu.memory_space<hbm>> -> memref<100000x512xf32, #tpu.memory_space<hbm>>
    tpu.enqueue_indirect_dma source(%dma_start3A_26 : memref<100000x512xf32, #tpu.memory_space<hbm>>) target(%arg9 : memref<32x512xf32, #tpu.memory_space<vmem>>) offsets(%dma_start3A_23 : memref<32xi32, #tpu.memory_space<vmem>>) semaphore(%arg13 : memref<!tpu.dma_semaphore, #tpu.memory_space<semaphore_mem>>)
    %dma_start3A_27 = arith.constant 1 : i32
    %dma_start3A_28 = arith.constant 0 : i32
    %dma_start3A_29 = tpu.memref_slice %arg6[%dma_start3A_27, %dma_start3A_28] : memref<4x64xi32, #tpu.memory_space<vmem>> -> memref<1x32xi32, #tpu.memory_space<vmem>>
    %dma_start3A_30 = tpu.memref_squeeze %dma_start3A_29 : memref<1x32xi32, #tpu.memory_space<vmem>> -> memref<32xi32, #tpu.memory_space<vmem>>
    %dma_start3A_31 = arith.constant 0 : i32
    %dma_start3A_32 = arith.constant 0 : i32
    %dma_start3A_33 = tpu.memref_slice %arg3[%dma_start3A_31, %dma_start3A_32] : memref<100000x512xf32, #tpu.memory_space<hbm>> -> memref<100000x512xf32, #tpu.memory_space<hbm>>
    tpu.enqueue_indirect_dma source(%dma_start3A_33 : memref<100000x512xf32, #tpu.memory_space<hbm>>) target(%arg10 : memref<32x512xf32, #tpu.memory_space<vmem>>) offsets(%dma_start3A_30 : memref<32xi32, #tpu.memory_space<vmem>>) semaphore(%arg14 : memref<!tpu.dma_semaphore, #tpu.memory_space<semaphore_mem>>)
    "tpu.region"() ({
      %run_scoped3A_216 = tpu.sem_alloc : memref<!tpu.dma_semaphore, #tpu.memory_space<semaphore_mem>>
      %dma_start3A_217 = arith.constant 0 : i32
      %dma_start3A_218 = tpu.memref_slice %arg4[%mul3A_2, %dma_start3A_217] : memref<2048x512xf32, #tpu.memory_space<hbm>> -> memref<64x512xf32, #tpu.memory_space<hbm>>
      %dma_start3A_219 = arith.constant 0 : i32
      %dma_start3A_220 = tpu.memref_slice %arg4[%mul3A_2, %dma_start3A_219] : memref<2048x512xf32, #tpu.memory_space<hbm>> -> memref<64x512xf32, #tpu.memory_space<hbm>>
      tpu.enqueue_dma source(%dma_start3A_220 : memref<64x512xf32, #tpu.memory_space<hbm>>) target(%arg7 : memref<64x512xf32, #tpu.memory_space<vmem>>) target_semaphore(%run_scoped3A_216 : memref<!tpu.dma_semaphore, #tpu.memory_space<semaphore_mem>>)
      %dma_wait3A_221 = arith.constant 0 : i32
      %dma_wait3A_222 = tpu.memref_slice %arg4[%mul3A_2, %dma_wait3A_221] : memref<2048x512xf32, #tpu.memory_space<hbm>> -> memref<64x512xf32, #tpu.memory_space<hbm>>
      %dma_wait3A_223 = arith.constant 0 : i32
      %dma_wait3A_224 = tpu.memref_slice %arg4[%mul3A_2, %dma_wait3A_223] : memref<2048x512xf32, #tpu.memory_space<hbm>> -> memref<64x512xf32, #tpu.memory_space<hbm>>
      tpu.wait_dma2 semaphore(%run_scoped3A_216 : memref<!tpu.dma_semaphore, #tpu.memory_space<semaphore_mem>>) src(%dma_wait3A_224 : memref<64x512xf32, #tpu.memory_space<hbm>>) dst(%arg7 : memref<64x512xf32, #tpu.memory_space<vmem>>)
      tpu.yield
    }) : () -> ()
    %dma_start3A_34 = arith.constant 1 : i32
    %dma_start3A_35 = arith.constant 32 : i32
    %dma_start3A_36 = tpu.memref_slice %arg6[%dma_start3A_34, %dma_start3A_35] : memref<4x64xi32, #tpu.memory_space<vmem>> -> memref<1x32xi32, #tpu.memory_space<vmem>>
    %dma_start3A_37 = tpu.memref_squeeze %dma_start3A_36 : memref<1x32xi32, #tpu.memory_space<vmem>> -> memref<32xi32, #tpu.memory_space<vmem>>
    %dma_start3A_38 = arith.constant 0 : i32
    %dma_start3A_39 = arith.constant 0 : i32
    %dma_start3A_40 = tpu.memref_slice %arg3[%dma_start3A_38, %dma_start3A_39] : memref<100000x512xf32, #tpu.memory_space<hbm>> -> memref<100000x512xf32, #tpu.memory_space<hbm>>
    tpu.enqueue_indirect_dma source(%dma_start3A_40 : memref<100000x512xf32, #tpu.memory_space<hbm>>) target(%arg11 : memref<32x512xf32, #tpu.memory_space<vmem>>) offsets(%dma_start3A_37 : memref<32xi32, #tpu.memory_space<vmem>>) semaphore(%arg15 : memref<!tpu.dma_semaphore, #tpu.memory_space<semaphore_mem>>)
    %dma_wait3A = arith.constant 0 : i32
    %dma_wait3A_41 = arith.constant 0 : i32
    %dma_wait3A_42 = tpu.memref_slice %arg6[%dma_wait3A, %dma_wait3A_41] : memref<4x64xi32, #tpu.memory_space<vmem>> -> memref<1x32xi32, #tpu.memory_space<vmem>>
    %dma_wait3A_43 = tpu.memref_squeeze %dma_wait3A_42 : memref<1x32xi32, #tpu.memory_space<vmem>> -> memref<32xi32, #tpu.memory_space<vmem>>
    %dma_wait3A_44 = arith.constant 0 : i32
    %dma_wait3A_45 = arith.constant 0 : i32
    %dma_wait3A_46 = tpu.memref_slice %arg3[%dma_wait3A_44, %dma_wait3A_45] : memref<100000x512xf32, #tpu.memory_space<hbm>> -> memref<100000x512xf32, #tpu.memory_space<hbm>>
    tpu.wait_indirect_dma semaphore(%arg12 : memref<!tpu.dma_semaphore, #tpu.memory_space<semaphore_mem>>) src(%dma_wait3A_46 : memref<100000x512xf32, #tpu.memory_space<hbm>>) dst(%arg8 : memref<32x512xf32, #tpu.memory_space<vmem>>)
    %add3A_47 = arith.constant 0 : i32
    %add3A_48 = arith.addi %add3A_47, %mul3A_2 : i32
    %add3A_49 = arith.constant 0 : i32
    %add3A_50 = arith.addi %add3A_48, %add3A_49 : i32
    %dma_start3A_51 = arith.constant 0 : i32
    %dma_start3A_52 = tpu.memref_slice %arg5[%add3A_50, %dma_start3A_51] : memref<8192x512xf32, #tpu.memory_space<hbm>> -> memref<32x512xf32, #tpu.memory_space<hbm>>
    %dma_start3A_53 = arith.constant 0 : i32
    %dma_start3A_54 = tpu.memref_slice %arg5[%add3A_50, %dma_start3A_53] : memref<8192x512xf32, #tpu.memory_space<hbm>> -> memref<32x512xf32, #tpu.memory_space<hbm>>
    tpu.enqueue_dma source(%arg8 : memref<32x512xf32, #tpu.memory_space<vmem>>) target(%dma_start3A_54 : memref<32x512xf32, #tpu.memory_space<hbm>>) target_semaphore(%arg16 : memref<!tpu.dma_semaphore, #tpu.memory_space<semaphore_mem>>)
    %dma_wait3A_55 = arith.constant 0 : i32
    %dma_wait3A_56 = tpu.memref_slice %arg5[%add3A_50, %dma_wait3A_55] : memref<8192x512xf32, #tpu.memory_space<hbm>> -> memref<32x512xf32, #tpu.memory_space<hbm>>
    %dma_wait3A_57 = arith.constant 0 : i32
    %dma_wait3A_58 = tpu.memref_slice %arg5[%add3A_50, %dma_wait3A_57] : memref<8192x512xf32, #tpu.memory_space<hbm>> -> memref<32x512xf32, #tpu.memory_space<hbm>>
    tpu.wait_dma2 semaphore(%arg16 : memref<!tpu.dma_semaphore, #tpu.memory_space<semaphore_mem>>) src(%arg8 : memref<32x512xf32, #tpu.memory_space<vmem>>) dst(%dma_wait3A_58 : memref<32x512xf32, #tpu.memory_space<hbm>>)
    %dma_start3A_59 = arith.constant 2 : i32
    %dma_start3A_60 = arith.constant 0 : i32
    %dma_start3A_61 = tpu.memref_slice %arg6[%dma_start3A_59, %dma_start3A_60] : memref<4x64xi32, #tpu.memory_space<vmem>> -> memref<1x32xi32, #tpu.memory_space<vmem>>
    %dma_start3A_62 = tpu.memref_squeeze %dma_start3A_61 : memref<1x32xi32, #tpu.memory_space<vmem>> -> memref<32xi32, #tpu.memory_space<vmem>>
    %dma_start3A_63 = arith.constant 0 : i32
    %dma_start3A_64 = arith.constant 0 : i32
    %dma_start3A_65 = tpu.memref_slice %arg3[%dma_start3A_63, %dma_start3A_64] : memref<100000x512xf32, #tpu.memory_space<hbm>> -> memref<100000x512xf32, #tpu.memory_space<hbm>>
    tpu.enqueue_indirect_dma source(%dma_start3A_65 : memref<100000x512xf32, #tpu.memory_space<hbm>>) target(%arg8 : memref<32x512xf32, #tpu.memory_space<vmem>>) offsets(%dma_start3A_62 : memref<32xi32, #tpu.memory_space<vmem>>) semaphore(%arg12 : memref<!tpu.dma_semaphore, #tpu.memory_space<semaphore_mem>>)
    %dma_wait3A_66 = arith.constant 0 : i32
    %dma_wait3A_67 = arith.constant 32 : i32
    %dma_wait3A_68 = tpu.memref_slice %arg6[%dma_wait3A_66, %dma_wait3A_67] : memref<4x64xi32, #tpu.memory_space<vmem>> -> memref<1x32xi32, #tpu.memory_space<vmem>>
    %dma_wait3A_69 = tpu.memref_squeeze %dma_wait3A_68 : memref<1x32xi32, #tpu.memory_space<vmem>> -> memref<32xi32, #tpu.memory_space<vmem>>
    %dma_wait3A_70 = arith.constant 0 : i32
    %dma_wait3A_71 = arith.constant 0 : i32
    %dma_wait3A_72 = tpu.memref_slice %arg3[%dma_wait3A_70, %dma_wait3A_71] : memref<100000x512xf32, #tpu.memory_space<hbm>> -> memref<100000x512xf32, #tpu.memory_space<hbm>>
    tpu.wait_indirect_dma semaphore(%arg13 : memref<!tpu.dma_semaphore, #tpu.memory_space<semaphore_mem>>) src(%dma_wait3A_72 : memref<100000x512xf32, #tpu.memory_space<hbm>>) dst(%arg9 : memref<32x512xf32, #tpu.memory_space<vmem>>)
    %add3A_73 = arith.constant 0 : i32
    %add3A_74 = arith.addi %add3A_73, %mul3A_2 : i32
    %add3A_75 = arith.constant 32 : i32
    %add3A_76 = arith.addi %add3A_74, %add3A_75 : i32
    %dma_start3A_77 = arith.constant 0 : i32
    %dma_start3A_78 = tpu.memref_slice %arg5[%add3A_76, %dma_start3A_77] : memref<8192x512xf32, #tpu.memory_space<hbm>> -> memref<32x512xf32, #tpu.memory_space<hbm>>
    %dma_start3A_79 = arith.constant 0 : i32
    %dma_start3A_80 = tpu.memref_slice %arg5[%add3A_76, %dma_start3A_79] : memref<8192x512xf32, #tpu.memory_space<hbm>> -> memref<32x512xf32, #tpu.memory_space<hbm>>
    tpu.enqueue_dma source(%arg9 : memref<32x512xf32, #tpu.memory_space<vmem>>) target(%dma_start3A_80 : memref<32x512xf32, #tpu.memory_space<hbm>>) target_semaphore(%arg17 : memref<!tpu.dma_semaphore, #tpu.memory_space<semaphore_mem>>)
    %dma_wait3A_81 = arith.constant 0 : i32
    %dma_wait3A_82 = tpu.memref_slice %arg5[%add3A_76, %dma_wait3A_81] : memref<8192x512xf32, #tpu.memory_space<hbm>> -> memref<32x512xf32, #tpu.memory_space<hbm>>
    %dma_wait3A_83 = arith.constant 0 : i32
    %dma_wait3A_84 = tpu.memref_slice %arg5[%add3A_76, %dma_wait3A_83] : memref<8192x512xf32, #tpu.memory_space<hbm>> -> memref<32x512xf32, #tpu.memory_space<hbm>>
    tpu.wait_dma2 semaphore(%arg17 : memref<!tpu.dma_semaphore, #tpu.memory_space<semaphore_mem>>) src(%arg9 : memref<32x512xf32, #tpu.memory_space<vmem>>) dst(%dma_wait3A_84 : memref<32x512xf32, #tpu.memory_space<hbm>>)
    %dma_start3A_85 = arith.constant 2 : i32
    %dma_start3A_86 = arith.constant 32 : i32
    %dma_start3A_87 = tpu.memref_slice %arg6[%dma_start3A_85, %dma_start3A_86] : memref<4x64xi32, #tpu.memory_space<vmem>> -> memref<1x32xi32, #tpu.memory_space<vmem>>
    %dma_start3A_88 = tpu.memref_squeeze %dma_start3A_87 : memref<1x32xi32, #tpu.memory_space<vmem>> -> memref<32xi32, #tpu.memory_space<vmem>>
    %dma_start3A_89 = arith.constant 0 : i32
    %dma_start3A_90 = arith.constant 0 : i32
    %dma_start3A_91 = tpu.memref_slice %arg3[%dma_start3A_89, %dma_start3A_90] : memref<100000x512xf32, #tpu.memory_space<hbm>> -> memref<100000x512xf32, #tpu.memory_space<hbm>>
    tpu.enqueue_indirect_dma source(%dma_start3A_91 : memref<100000x512xf32, #tpu.memory_space<hbm>>) target(%arg9 : memref<32x512xf32, #tpu.memory_space<vmem>>) offsets(%dma_start3A_88 : memref<32xi32, #tpu.memory_space<vmem>>) semaphore(%arg13 : memref<!tpu.dma_semaphore, #tpu.memory_space<semaphore_mem>>)
    %dma_wait3A_92 = arith.constant 1 : i32
    %dma_wait3A_93 = arith.constant 0 : i32
    %dma_wait3A_94 = tpu.memref_slice %arg6[%dma_wait3A_92, %dma_wait3A_93] : memref<4x64xi32, #tpu.memory_space<vmem>> -> memref<1x32xi32, #tpu.memory_space<vmem>>
    %dma_wait3A_95 = tpu.memref_squeeze %dma_wait3A_94 : memref<1x32xi32, #tpu.memory_space<vmem>> -> memref<32xi32, #tpu.memory_space<vmem>>
    %dma_wait3A_96 = arith.constant 0 : i32
    %dma_wait3A_97 = arith.constant 0 : i32
    %dma_wait3A_98 = tpu.memref_slice %arg3[%dma_wait3A_96, %dma_wait3A_97] : memref<100000x512xf32, #tpu.memory_space<hbm>> -> memref<100000x512xf32, #tpu.memory_space<hbm>>
    tpu.wait_indirect_dma semaphore(%arg14 : memref<!tpu.dma_semaphore, #tpu.memory_space<semaphore_mem>>) src(%dma_wait3A_98 : memref<100000x512xf32, #tpu.memory_space<hbm>>) dst(%arg10 : memref<32x512xf32, #tpu.memory_space<vmem>>)
    %add3A_99 = arith.constant 2048 : i32
    %add3A_100 = arith.addi %add3A_99, %mul3A_2 : i32
    %add3A_101 = arith.constant 0 : i32
    %add3A_102 = arith.addi %add3A_100, %add3A_101 : i32
    %dma_start3A_103 = arith.constant 0 : i32
    %dma_start3A_104 = tpu.memref_slice %arg5[%add3A_102, %dma_start3A_103] : memref<8192x512xf32, #tpu.memory_space<hbm>> -> memref<32x512xf32, #tpu.memory_space<hbm>>
    %dma_start3A_105 = arith.constant 0 : i32
    %dma_start3A_106 = tpu.memref_slice %arg5[%add3A_102, %dma_start3A_105] : memref<8192x512xf32, #tpu.memory_space<hbm>> -> memref<32x512xf32, #tpu.memory_space<hbm>>
    tpu.enqueue_dma source(%arg10 : memref<32x512xf32, #tpu.memory_space<vmem>>) target(%dma_start3A_106 : memref<32x512xf32, #tpu.memory_space<hbm>>) target_semaphore(%arg18 : memref<!tpu.dma_semaphore, #tpu.memory_space<semaphore_mem>>)
    %dma_wait3A_107 = arith.constant 0 : i32
    %dma_wait3A_108 = tpu.memref_slice %arg5[%add3A_102, %dma_wait3A_107] : memref<8192x512xf32, #tpu.memory_space<hbm>> -> memref<32x512xf32, #tpu.memory_space<hbm>>
    %dma_wait3A_109 = arith.constant 0 : i32
    %dma_wait3A_110 = tpu.memref_slice %arg5[%add3A_102, %dma_wait3A_109] : memref<8192x512xf32, #tpu.memory_space<hbm>> -> memref<32x512xf32, #tpu.memory_space<hbm>>
    tpu.wait_dma2 semaphore(%arg18 : memref<!tpu.dma_semaphore, #tpu.memory_space<semaphore_mem>>) src(%arg10 : memref<32x512xf32, #tpu.memory_space<vmem>>) dst(%dma_wait3A_110 : memref<32x512xf32, #tpu.memory_space<hbm>>)
    %dma_start3A_111 = arith.constant 3 : i32
    %dma_start3A_112 = arith.constant 0 : i32
    %dma_start3A_113 = tpu.memref_slice %arg6[%dma_start3A_111, %dma_start3A_112] : memref<4x64xi32, #tpu.memory_space<vmem>> -> memref<1x32xi32, #tpu.memory_space<vmem>>
    %dma_start3A_114 = tpu.memref_squeeze %dma_start3A_113 : memref<1x32xi32, #tpu.memory_space<vmem>> -> memref<32xi32, #tpu.memory_space<vmem>>
    %dma_start3A_115 = arith.constant 0 : i32
    %dma_start3A_116 = arith.constant 0 : i32
    %dma_start3A_117 = tpu.memref_slice %arg3[%dma_start3A_115, %dma_start3A_116] : memref<100000x512xf32, #tpu.memory_space<hbm>> -> memref<100000x512xf32, #tpu.memory_space<hbm>>
    tpu.enqueue_indirect_dma source(%dma_start3A_117 : memref<100000x512xf32, #tpu.memory_space<hbm>>) target(%arg10 : memref<32x512xf32, #tpu.memory_space<vmem>>) offsets(%dma_start3A_114 : memref<32xi32, #tpu.memory_space<vmem>>) semaphore(%arg14 : memref<!tpu.dma_semaphore, #tpu.memory_space<semaphore_mem>>)
    %dma_wait3A_118 = arith.constant 1 : i32
    %dma_wait3A_119 = arith.constant 32 : i32
    %dma_wait3A_120 = tpu.memref_slice %arg6[%dma_wait3A_118, %dma_wait3A_119] : memref<4x64xi32, #tpu.memory_space<vmem>> -> memref<1x32xi32, #tpu.memory_space<vmem>>
    %dma_wait3A_121 = tpu.memref_squeeze %dma_wait3A_120 : memref<1x32xi32, #tpu.memory_space<vmem>> -> memref<32xi32, #tpu.memory_space<vmem>>
    %dma_wait3A_122 = arith.constant 0 : i32
    %dma_wait3A_123 = arith.constant 0 : i32
    %dma_wait3A_124 = tpu.memref_slice %arg3[%dma_wait3A_122, %dma_wait3A_123] : memref<100000x512xf32, #tpu.memory_space<hbm>> -> memref<100000x512xf32, #tpu.memory_space<hbm>>
    tpu.wait_indirect_dma semaphore(%arg15 : memref<!tpu.dma_semaphore, #tpu.memory_space<semaphore_mem>>) src(%dma_wait3A_124 : memref<100000x512xf32, #tpu.memory_space<hbm>>) dst(%arg11 : memref<32x512xf32, #tpu.memory_space<vmem>>)
    %add3A_125 = arith.constant 2048 : i32
    %add3A_126 = arith.addi %add3A_125, %mul3A_2 : i32
    %add3A_127 = arith.constant 32 : i32
    %add3A_128 = arith.addi %add3A_126, %add3A_127 : i32
    %dma_start3A_129 = arith.constant 0 : i32
    %dma_start3A_130 = tpu.memref_slice %arg5[%add3A_128, %dma_start3A_129] : memref<8192x512xf32, #tpu.memory_space<hbm>> -> memref<32x512xf32, #tpu.memory_space<hbm>>
    %dma_start3A_131 = arith.constant 0 : i32
    %dma_start3A_132 = tpu.memref_slice %arg5[%add3A_128, %dma_start3A_131] : memref<8192x512xf32, #tpu.memory_space<hbm>> -> memref<32x512xf32, #tpu.memory_space<hbm>>
    tpu.enqueue_dma source(%arg11 : memref<32x512xf32, #tpu.memory_space<vmem>>) target(%dma_start3A_132 : memref<32x512xf32, #tpu.memory_space<hbm>>) target_semaphore(%arg19 : memref<!tpu.dma_semaphore, #tpu.memory_space<semaphore_mem>>)
    %dma_wait3A_133 = arith.constant 0 : i32
    %dma_wait3A_134 = tpu.memref_slice %arg5[%add3A_128, %dma_wait3A_133] : memref<8192x512xf32, #tpu.memory_space<hbm>> -> memref<32x512xf32, #tpu.memory_space<hbm>>
    %dma_wait3A_135 = arith.constant 0 : i32
    %dma_wait3A_136 = tpu.memref_slice %arg5[%add3A_128, %dma_wait3A_135] : memref<8192x512xf32, #tpu.memory_space<hbm>> -> memref<32x512xf32, #tpu.memory_space<hbm>>
    tpu.wait_dma2 semaphore(%arg19 : memref<!tpu.dma_semaphore, #tpu.memory_space<semaphore_mem>>) src(%arg11 : memref<32x512xf32, #tpu.memory_space<vmem>>) dst(%dma_wait3A_136 : memref<32x512xf32, #tpu.memory_space<hbm>>)
    %dma_start3A_137 = arith.constant 3 : i32
    %dma_start3A_138 = arith.constant 32 : i32
    %dma_start3A_139 = tpu.memref_slice %arg6[%dma_start3A_137, %dma_start3A_138] : memref<4x64xi32, #tpu.memory_space<vmem>> -> memref<1x32xi32, #tpu.memory_space<vmem>>
    %dma_start3A_140 = tpu.memref_squeeze %dma_start3A_139 : memref<1x32xi32, #tpu.memory_space<vmem>> -> memref<32xi32, #tpu.memory_space<vmem>>
    %dma_start3A_141 = arith.constant 0 : i32
    %dma_start3A_142 = arith.constant 0 : i32
    %dma_start3A_143 = tpu.memref_slice %arg3[%dma_start3A_141, %dma_start3A_142] : memref<100000x512xf32, #tpu.memory_space<hbm>> -> memref<100000x512xf32, #tpu.memory_space<hbm>>
    tpu.enqueue_indirect_dma source(%dma_start3A_143 : memref<100000x512xf32, #tpu.memory_space<hbm>>) target(%arg11 : memref<32x512xf32, #tpu.memory_space<vmem>>) offsets(%dma_start3A_140 : memref<32xi32, #tpu.memory_space<vmem>>) semaphore(%arg15 : memref<!tpu.dma_semaphore, #tpu.memory_space<semaphore_mem>>)
    %dma_wait3A_144 = arith.constant 2 : i32
    %dma_wait3A_145 = arith.constant 0 : i32
    %dma_wait3A_146 = tpu.memref_slice %arg6[%dma_wait3A_144, %dma_wait3A_145] : memref<4x64xi32, #tpu.memory_space<vmem>> -> memref<1x32xi32, #tpu.memory_space<vmem>>
    %dma_wait3A_147 = tpu.memref_squeeze %dma_wait3A_146 : memref<1x32xi32, #tpu.memory_space<vmem>> -> memref<32xi32, #tpu.memory_space<vmem>>
    %dma_wait3A_148 = arith.constant 0 : i32
    %dma_wait3A_149 = arith.constant 0 : i32
    %dma_wait3A_150 = tpu.memref_slice %arg3[%dma_wait3A_148, %dma_wait3A_149] : memref<100000x512xf32, #tpu.memory_space<hbm>> -> memref<100000x512xf32, #tpu.memory_space<hbm>>
    tpu.wait_indirect_dma semaphore(%arg12 : memref<!tpu.dma_semaphore, #tpu.memory_space<semaphore_mem>>) src(%dma_wait3A_150 : memref<100000x512xf32, #tpu.memory_space<hbm>>) dst(%arg8 : memref<32x512xf32, #tpu.memory_space<vmem>>)
    %add3A_151 = arith.constant 4096 : i32
    %add3A_152 = arith.addi %add3A_151, %mul3A_2 : i32
    %add3A_153 = arith.constant 0 : i32
    %add3A_154 = arith.addi %add3A_152, %add3A_153 : i32
    %dma_start3A_155 = arith.constant 0 : i32
    %dma_start3A_156 = tpu.memref_slice %arg5[%add3A_154, %dma_start3A_155] : memref<8192x512xf32, #tpu.memory_space<hbm>> -> memref<32x512xf32, #tpu.memory_space<hbm>>
    %dma_start3A_157 = arith.constant 0 : i32
    %dma_start3A_158 = tpu.memref_slice %arg5[%add3A_154, %dma_start3A_157] : memref<8192x512xf32, #tpu.memory_space<hbm>> -> memref<32x512xf32, #tpu.memory_space<hbm>>
    tpu.enqueue_dma source(%arg8 : memref<32x512xf32, #tpu.memory_space<vmem>>) target(%dma_start3A_158 : memref<32x512xf32, #tpu.memory_space<hbm>>) target_semaphore(%arg16 : memref<!tpu.dma_semaphore, #tpu.memory_space<semaphore_mem>>)
    %dma_wait3A_159 = arith.constant 2 : i32
    %dma_wait3A_160 = arith.constant 32 : i32
    %dma_wait3A_161 = tpu.memref_slice %arg6[%dma_wait3A_159, %dma_wait3A_160] : memref<4x64xi32, #tpu.memory_space<vmem>> -> memref<1x32xi32, #tpu.memory_space<vmem>>
    %dma_wait3A_162 = tpu.memref_squeeze %dma_wait3A_161 : memref<1x32xi32, #tpu.memory_space<vmem>> -> memref<32xi32, #tpu.memory_space<vmem>>
    %dma_wait3A_163 = arith.constant 0 : i32
    %dma_wait3A_164 = arith.constant 0 : i32
    %dma_wait3A_165 = tpu.memref_slice %arg3[%dma_wait3A_163, %dma_wait3A_164] : memref<100000x512xf32, #tpu.memory_space<hbm>> -> memref<100000x512xf32, #tpu.memory_space<hbm>>
    tpu.wait_indirect_dma semaphore(%arg13 : memref<!tpu.dma_semaphore, #tpu.memory_space<semaphore_mem>>) src(%dma_wait3A_165 : memref<100000x512xf32, #tpu.memory_space<hbm>>) dst(%arg9 : memref<32x512xf32, #tpu.memory_space<vmem>>)
    %add3A_166 = arith.constant 4096 : i32
    %add3A_167 = arith.addi %add3A_166, %mul3A_2 : i32
    %add3A_168 = arith.constant 32 : i32
    %add3A_169 = arith.addi %add3A_167, %add3A_168 : i32
    %dma_start3A_170 = arith.constant 0 : i32
    %dma_start3A_171 = tpu.memref_slice %arg5[%add3A_169, %dma_start3A_170] : memref<8192x512xf32, #tpu.memory_space<hbm>> -> memref<32x512xf32, #tpu.memory_space<hbm>>
    %dma_start3A_172 = arith.constant 0 : i32
    %dma_start3A_173 = tpu.memref_slice %arg5[%add3A_169, %dma_start3A_172] : memref<8192x512xf32, #tpu.memory_space<hbm>> -> memref<32x512xf32, #tpu.memory_space<hbm>>
    tpu.enqueue_dma source(%arg9 : memref<32x512xf32, #tpu.memory_space<vmem>>) target(%dma_start3A_173 : memref<32x512xf32, #tpu.memory_space<hbm>>) target_semaphore(%arg17 : memref<!tpu.dma_semaphore, #tpu.memory_space<semaphore_mem>>)
    %dma_wait3A_174 = arith.constant 3 : i32
    %dma_wait3A_175 = arith.constant 0 : i32
    %dma_wait3A_176 = tpu.memref_slice %arg6[%dma_wait3A_174, %dma_wait3A_175] : memref<4x64xi32, #tpu.memory_space<vmem>> -> memref<1x32xi32, #tpu.memory_space<vmem>>
    %dma_wait3A_177 = tpu.memref_squeeze %dma_wait3A_176 : memref<1x32xi32, #tpu.memory_space<vmem>> -> memref<32xi32, #tpu.memory_space<vmem>>
    %dma_wait3A_178 = arith.constant 0 : i32
    %dma_wait3A_179 = arith.constant 0 : i32
    %dma_wait3A_180 = tpu.memref_slice %arg3[%dma_wait3A_178, %dma_wait3A_179] : memref<100000x512xf32, #tpu.memory_space<hbm>> -> memref<100000x512xf32, #tpu.memory_space<hbm>>
    tpu.wait_indirect_dma semaphore(%arg14 : memref<!tpu.dma_semaphore, #tpu.memory_space<semaphore_mem>>) src(%dma_wait3A_180 : memref<100000x512xf32, #tpu.memory_space<hbm>>) dst(%arg10 : memref<32x512xf32, #tpu.memory_space<vmem>>)
    %add3A_181 = arith.constant 6144 : i32
    %add3A_182 = arith.addi %add3A_181, %mul3A_2 : i32
    %add3A_183 = arith.constant 0 : i32
    %add3A_184 = arith.addi %add3A_182, %add3A_183 : i32
    %dma_start3A_185 = arith.constant 0 : i32
    %dma_start3A_186 = tpu.memref_slice %arg5[%add3A_184, %dma_start3A_185] : memref<8192x512xf32, #tpu.memory_space<hbm>> -> memref<32x512xf32, #tpu.memory_space<hbm>>
    %dma_start3A_187 = arith.constant 0 : i32
    %dma_start3A_188 = tpu.memref_slice %arg5[%add3A_184, %dma_start3A_187] : memref<8192x512xf32, #tpu.memory_space<hbm>> -> memref<32x512xf32, #tpu.memory_space<hbm>>
    tpu.enqueue_dma source(%arg10 : memref<32x512xf32, #tpu.memory_space<vmem>>) target(%dma_start3A_188 : memref<32x512xf32, #tpu.memory_space<hbm>>) target_semaphore(%arg18 : memref<!tpu.dma_semaphore, #tpu.memory_space<semaphore_mem>>)
    %dma_wait3A_189 = arith.constant 3 : i32
    %dma_wait3A_190 = arith.constant 32 : i32
    %dma_wait3A_191 = tpu.memref_slice %arg6[%dma_wait3A_189, %dma_wait3A_190] : memref<4x64xi32, #tpu.memory_space<vmem>> -> memref<1x32xi32, #tpu.memory_space<vmem>>
    %dma_wait3A_192 = tpu.memref_squeeze %dma_wait3A_191 : memref<1x32xi32, #tpu.memory_space<vmem>> -> memref<32xi32, #tpu.memory_space<vmem>>
    %dma_wait3A_193 = arith.constant 0 : i32
    %dma_wait3A_194 = arith.constant 0 : i32
    %dma_wait3A_195 = tpu.memref_slice %arg3[%dma_wait3A_193, %dma_wait3A_194] : memref<100000x512xf32, #tpu.memory_space<hbm>> -> memref<100000x512xf32, #tpu.memory_space<hbm>>
    tpu.wait_indirect_dma semaphore(%arg15 : memref<!tpu.dma_semaphore, #tpu.memory_space<semaphore_mem>>) src(%dma_wait3A_195 : memref<100000x512xf32, #tpu.memory_space<hbm>>) dst(%arg11 : memref<32x512xf32, #tpu.memory_space<vmem>>)
    %add3A_196 = arith.constant 6144 : i32
    %add3A_197 = arith.addi %add3A_196, %mul3A_2 : i32
    %add3A_198 = arith.constant 32 : i32
    %add3A_199 = arith.addi %add3A_197, %add3A_198 : i32
    %dma_start3A_200 = arith.constant 0 : i32
    %dma_start3A_201 = tpu.memref_slice %arg5[%add3A_199, %dma_start3A_200] : memref<8192x512xf32, #tpu.memory_space<hbm>> -> memref<32x512xf32, #tpu.memory_space<hbm>>
    %dma_start3A_202 = arith.constant 0 : i32
    %dma_start3A_203 = tpu.memref_slice %arg5[%add3A_199, %dma_start3A_202] : memref<8192x512xf32, #tpu.memory_space<hbm>> -> memref<32x512xf32, #tpu.memory_space<hbm>>
    tpu.enqueue_dma source(%arg11 : memref<32x512xf32, #tpu.memory_space<vmem>>) target(%dma_start3A_203 : memref<32x512xf32, #tpu.memory_space<hbm>>) target_semaphore(%arg19 : memref<!tpu.dma_semaphore, #tpu.memory_space<semaphore_mem>>)
    %dma_wait3A_204 = arith.constant 0 : i32
    %dma_wait3A_205 = tpu.memref_slice %arg5[%add3A_169, %dma_wait3A_204] : memref<8192x512xf32, #tpu.memory_space<hbm>> -> memref<32x512xf32, #tpu.memory_space<hbm>>
    %dma_wait3A_206 = arith.constant 0 : i32
    %dma_wait3A_207 = tpu.memref_slice %arg5[%add3A_169, %dma_wait3A_206] : memref<8192x512xf32, #tpu.memory_space<hbm>> -> memref<32x512xf32, #tpu.memory_space<hbm>>
    tpu.wait_dma2 semaphore(%arg17 : memref<!tpu.dma_semaphore, #tpu.memory_space<semaphore_mem>>) src(%arg9 : memref<32x512xf32, #tpu.memory_space<vmem>>) dst(%dma_wait3A_207 : memref<32x512xf32, #tpu.memory_space<hbm>>)
    %dma_wait3A_208 = arith.constant 0 : i32
    %dma_wait3A_209 = tpu.memref_slice %arg5[%add3A_184, %dma_wait3A_208] : memref<8192x512xf32, #tpu.memory_space<hbm>> -> memref<32x512xf32, #tpu.memory_space<hbm>>
    %dma_wait3A_210 = arith.constant 0 : i32
    %dma_wait3A_211 = tpu.memref_slice %arg5[%add3A_184, %dma_wait3A_210] : memref<8192x512xf32, #tpu.memory_space<hbm>> -> memref<32x512xf32, #tpu.memory_space<hbm>>
    tpu.wait_dma2 semaphore(%arg18 : memref<!tpu.dma_semaphore, #tpu.memory_space<semaphore_mem>>) src(%arg10 : memref<32x512xf32, #tpu.memory_space<vmem>>) dst(%dma_wait3A_211 : memref<32x512xf32, #tpu.memory_space<hbm>>)
    %dma_wait3A_212 = arith.constant 0 : i32
    %dma_wait3A_213 = tpu.memref_slice %arg5[%add3A_199, %dma_wait3A_212] : memref<8192x512xf32, #tpu.memory_space<hbm>> -> memref<32x512xf32, #tpu.memory_space<hbm>>
    %dma_wait3A_214 = arith.constant 0 : i32
    %dma_wait3A_215 = tpu.memref_slice %arg5[%add3A_199, %dma_wait3A_214] : memref<8192x512xf32, #tpu.memory_space<hbm>> -> memref<32x512xf32, #tpu.memory_space<hbm>>
    tpu.wait_dma2 semaphore(%arg19 : memref<!tpu.dma_semaphore, #tpu.memory_space<semaphore_mem>>) src(%arg11 : memref<32x512xf32, #tpu.memory_space<vmem>>) dst(%dma_wait3A_215 : memref<32x512xf32, #tpu.memory_space<hbm>>)
    return
  }
}

</mosaic_0001>

<sc_bundles>
// kernel: kernel.3.cloned.1.call-start
scs
__scs_entry_jumppad:
0x0: {  	(pc) =	sbr.rel $0x88, $3  }
0x1: {  	(tag) =	ssettag $0x0;
	lr =	simm.s32 $0x1  }
0x2: {  	[smem:$0x3F9F] =	sst lr;
	_ =	strace $0xD0000000  }
0x3: {  	_ = 	snop  }
0x4: {  	_ = 	snop  }
0x5: {  	_ = 	snop  }
0x6: {  	_ = 	snop  }
0x7: {  	_ = 	snop  }
__scs_overlays_trampoline_lowered:
0x8: {  	[smem:$0x3FAE] =	sst s0  }
0x9: {  	[smem:$0x3FAF] =	sst s1  }
0xa: {  	[smem:$0x3FB0] =	sst s2  }
0xb: {  	[smem:$0x3FB1] =	sst s3  }
0xc: {  	[smem:$0x3FB2] =	sst s4  }
0xd: {  	[smem:$0x3FB3] =	sst s5  }
0xe: {  	[smem:$0x3FB4] =	sst s6  }
0xf: {  	[smem:$0x3FB5] =	sst s7  }
0x10: {  	[smem:$0x3FB6] =	sst s8  }
0x11: {  	[smem:$0x3FB7] =	sst s9;
	s0 =	simm.s32 @!p0 $0x0  }
0x12: {  	s1 =	sld [smem:$0x3F9D];
	s0 =	simm.s32 @p0 $0x1  }
0x13: {  	[smem:$0x3FB8] =	sst s0;
	s0 =	simm.s32 @!p1 $0x0  }
0x14: {  	s2 =	sld [smem:$0x3F9C];
	s0 =	simm.s32 @p1 $0x1  }
0x15: {  	[smem:$0x3FB9] =	sst s0;
	s0 =	simm.s32 @!p2 $0x0  }
0x16: {  	s3 =	sld [smem:$0x3FDB];
	s0 =	simm.s32 @p2 $0x1  }
0x17: {  	s4 =	simm.s32 $0x1BF5;
	[smem:$0x3FBB] =	sst s0  }
0x18: {  	s0 =	sld [smem:$0x3F9E];
	_ =	swait.ge [sflag:s4], $0x0  }
0x19: {  	s7 =	sld [smem:$0x3F9F]  }
0x1a: {  	s8 =	sadd.s32 $0xFFFFE003, lr  }
0x1b: {  	s9 =	sadd.s32 $0xFFFFFEF7, lr;
	s5 =	simm.s32 $0xFFFFFFFF;
	p2 =	slt.u32 s8, $0xFFFFF086  }
0x1c: {  	p1 =	slt.u32 s9, $0xF7A;
	s5 =	simm.s32 @!p2 $0x0  }
0x1d: {  	s5 =	simm.s32 @p1 $0x1;
	p0 =	seq.s32 s7, s2  }
0x1e: {  	s7 =	smul.u32 @!p0 $0xF7A, s2;
	p2 =	seq.s32 @!p0 s5, $0x0  }
0x1f: {  	s9 =	smul.u32 $0xF7A, s1;
	s8 =	simm.s32 @!p0 $0x1BF5;
	p2 =	por !p2, p0  }
0x20: {  	[sflag:s8] =	ssyncset.s32 @!p0 $0xFFFFF086;
	s6 =	sadd.s32 @!p0 s3, s7;
	s7 =	simm.s32 @!p0 $0x108  }
0x21: {  	s3 =	sadd.s32 s3, s9;
	s6 =	sadd.s32 @!p0 $0x88, s6;
	s7 =	simm.s32 @p2 $0x1082  }
0x22: {  	[simem:s7], [sflag:s8] =	dma.local @!p0 [hbm:s6], $0xF7A  }
0x23: {  	s9 =	sor.u32 $0xD0000000, s2;
	s6 =	simm.s32 $0x108;
	_ =	swait.ge @!p0 [sflag:s8], $0x0  }
0x24: {  	s3 =	sadd.s32 $0x88, s3;
	s6 =	simm.s32 @!p1 $0x1082;
	[sflag:s4] =	ssyncset.s32 $0xFFFFF086  }
0x25: {  	[simem:s6], [sflag:s4] =	dma.local [hbm:s3], $0xF7A  }
0x26: {  	[smem:$0x3F9F] =	sst s1;
	(tag) =	ssettag s2;
	_ =	strace s9  }
0x27: {  	s1 =	sld [smem:$0x3FAF]  }
0x28: {  	s2 =	sld [smem:$0x3FB0]  }
0x29: {  	s4 =	sld [smem:$0x3FB2]  }
0x2a: {  	p0 =	seq.s32 s5, $0x0;
	s5 =	sld [smem:$0x3FB3]  }
0x2b: {  	s6 =	sld [smem:$0x3FB4]  }
0x2c: {  	s7 =	sld [smem:$0x3FB5]  }
0x2d: {  	s3 =	simm.s32 $0x108;
	s8 =	sld [smem:$0x3FB6]  }
0x2e: {  	s3 =	simm.s32 @!p0 $0x1082;
	s9 =	sld [smem:$0x3FB7]  }
0x2f: {  	lr =	sadd.s32 s0, s3;
	s0 =	sld [smem:$0x3FAE]  }
0x30: {  	s3 =	sld [smem:$0x3FB1]  }
0x31: {  	[smem:$0x3FBA] =	sst s10  }
0x32: {  	s10 =	sld [smem:$0x3FB8];
	_ =	sdelay $0x3  }
0x33: {  	p0 =	seq.s32 s10, $0x1;
	s10 =	sld [smem:$0x3FBA];
	_ =	sdelay $0x3  }
0x34: {  	[smem:$0x3FBA] =	sst s10  }
0x35: {  	s10 =	sld [smem:$0x3FB9];
	_ =	sdelay $0x3  }
0x36: {  	p1 =	seq.s32 s10, $0x1;
	s10 =	sld [smem:$0x3FBA];
	_ =	sdelay $0x3  }
0x37: {  	[smem:$0x3FBA] =	sst s10  }
0x38: {  	s10 =	sld [smem:$0x3FBB]  }
0x39: {  	_ = 	snop;
	(pc) =	sbr.ind lr, $3  }
0x3a: {  	_ = 	snop  }
0x3b: {  	_ = 	snop  }
0x3c: {  	p2 =	seq.s32 s10, $0x1;
	s10 =	sld [smem:$0x3FBA]  }
0x3d: {  	_ =	shalt  }
0x3e: {  	_ =	shalt  }
0x3f: {  	_ =	shalt  }
0x40: {  	_ =	shalt  }
0x41: {  	_ =	shalt  }
0x42: {  	_ =	shalt  }
0x43: {  	_ =	shalt  }
0x44: {  	_ =	shalt  }
0x45: {  	_ =	shalt  }
0x46: {  	_ =	shalt  }
0x47: {  	_ =	shalt  }
0x48: {  	_ =	shalt  }
0x49: {  	_ =	shalt  }
0x4a: {  	_ =	shalt  }
0x4b: {  	_ =	shalt  }
0x4c: {  	_ =	shalt  }
0x4d: {  	_ =	shalt  }
0x4e: {  	_ =	shalt  }
0x4f: {  	_ =	shalt  }
0x50: {  	_ =	shalt  }
0x51: {  	_ =	shalt  }
0x52: {  	_ =	shalt  }
0x53: {  	_ =	shalt  }
0x54: {  	_ =	shalt  }
0x55: {  	_ =	shalt  }
0x56: {  	_ =	shalt  }
0x57: {  	_ =	shalt  }
0x58: {  	_ =	shalt  }
0x59: {  	_ =	shalt  }
0x5a: {  	_ =	shalt  }
0x5b: {  	_ =	shalt  }
0x5c: {  	_ =	shalt  }
0x5d: {  	_ =	shalt  }
0x5e: {  	_ =	shalt  }
0x5f: {  	_ =	shalt  }
0x60: {  	_ =	shalt  }
0x61: {  	_ =	shalt  }
0x62: {  	_ =	shalt  }
0x63: {  	_ =	shalt  }
0x64: {  	_ =	shalt  }
0x65: {  	_ =	shalt  }
0x66: {  	_ =	shalt  }
0x67: {  	_ =	shalt  }
0x68: {  	_ =	shalt  }
0x69: {  	_ =	shalt  }
0x6a: {  	_ =	shalt  }
0x6b: {  	_ =	shalt  }
0x6c: {  	_ =	shalt  }
0x6d: {  	_ =	shalt  }
0x6e: {  	_ =	shalt  }
0x6f: {  	_ =	shalt  }
0x70: {  	_ =	shalt  }
0x71: {  	_ =	shalt  }
0x72: {  	_ =	shalt  }
0x73: {  	_ =	shalt  }
0x74: {  	_ =	shalt  }
0x75: {  	_ =	shalt  }
0x76: {  	_ =	shalt  }
0x77: {  	_ =	shalt  }
0x78: {  	_ =	shalt  }
0x79: {  	_ =	shalt  }
0x7a: {  	_ =	shalt  }
0x7b: {  	_ =	shalt  }
0x7c: {  	_ =	shalt  }
0x7d: {  	_ =	shalt  }
0x7e: {  	_ =	shalt  }
0x7f: {  	_ =	shalt  }
0x80: {  	_ =	shalt  }
0x81: {  	_ =	shalt  }
0x82: {  	_ =	shalt  }
0x83: {  	_ =	shalt  }
0x84: {  	_ =	shalt  }
0x85: {  	_ =	shalt  }
0x86: {  	_ =	shalt  }
0x87: {  	_ =	shalt  }
.Lfunc_end0:
.L_simem_size_0:
called_computation_lowered:
.L_overlay_start_0:
0x88: {  	s2 =	sld [smem:$0x3FD9]  }
0x89: {  	s3 =	sld [smem:$0x3FFE];
	_ =	sdelay $0x1  }
0x8a: {  	s1 =	srdreg.scid  }
0x8b: {  	s0 =	sand.u32 $0x1, s1  }
0x8c: {  	s17 =	sshll.u32 s0, $0xA;
	s2 =	sadd.s32 s3, s2  }
0x8d: {  	s2 =	sadd.s32 s2, s17  }
0x8e: {  	[smem:$0x3FC6] =	sst s2  }
0x8f: {  	_ = 	snop  }
0x90: {  	s2 =	sld [smem:$0x3FC8]  }
0x91: {  	s18 =	sld [smem:$0x3FD0];
	(tm) =	ssettm $0x1  }
0x92: {  	s4 =	sld [smem:$0x3FFB];
	_ =	sdelay $0x3  }
0x93: {  	_ =	strace s4  }
0x94: {  	s4 =	sld [smem:$0x3FFC];
	_ =	sdelay $0x3  }
0x95: {  	_ =	strace s4  }
0x96: {  	s4 =	sld [smem:$0x3FFD];
	_ =	sdelay $0x3  }
0x97: {  	_ =	strace s4  }
0x98: {  	_ =	strace $0x8FFFFFFF  }
0x99: {  	s19 =	sld [smem:$0x3FDB];
	_ =	sdelay $0x1  }
0x9a: {  	s5 =	simm.s32 $_scs_section_size  }
0x9b: {  	s6 =	simm.s32 $_size__tile_overlayer_lowered;
	s7 =	simm.s32 $_tile_overlayer_lowered  }
0x9c: {  	s22 =	simm.s32 $0x1BFF;
	s21 =	sshll.u32 s7, $0x1;
	s4 =	sadd.s32 s5, s19  }
0x9d: {  	s8 =	simm.s32 $0x0;
	s20 =	sshll.u32 s6, $0x1;
	s6 =	sadd.s32 s21, s4  }
0x9e: {  	[timem:s8], [sflag:s22] =	dma.local [hbm:s6], s20  }
0x9f: {  	_ =	swait.ge [sflag:s22], s20  }
0xa0: {  	s5 =	ssub.s32 $0x0, s20;
	[sflag:s22] =	ssyncset.done $0x0  }
0xa1: {  	[sflag:s22] =	ssyncadd.s32 s5;
	_ =	sdelay $0x1  }
0xa2: {  	s23 =	simm.s32 $0x1B8B  }
0xa3: {  	_ =	swait.ge [sflag:s23], $0x1  }
0xa4: {  	[sflag:s23] =	ssyncset.done $0x0  }
0xa5: {  	s25 =	simm.s32 $0x1B8E;
	s24 =	sld [smem:$0x3FFE];
	[sflag:s23] =	ssyncadd.s32 $0xFFFFFFFF  }
0xa6: {  	s26 =	simm.s32 $execute0_lowered;
	[smem:$0x3FD2] =	sst s25  }
0xa7: {  	s6 =	sshll.u32 s26, $0x1;
	_ =	strace $0x80000046;
	[dreg:$0x1] =	wrdreg $0xFFFFFFFF  }
0xa8: {  	s28 =	simm.s32 $_size_execute0_lowered;
	s4 =	sadd.s32 s4, s6;
	[dreg:$0x0] =	wrdreg $0x0  }
0xa9: {  	s6 =	sshll.u32 s28, $0x1;
	[dreg:$0x2] =	wrdreg s4  }
0xaa: {  	[dreg:$0x3] =	wrdreg s6  }
0xab: {  	[dreg:$0x4] =	wrdreg $0xC0  }
0xac: {  	_ =	task [dreg:s8], $0x5FFFF  }
0xad: {  	[dreg:$0x1] =	wrdreg $0xFFFFFFFF  }
0xae: {  	[dreg:$0x0] =	wrdreg $0x60  }
0xaf: {  	[dreg:$0x2] =	wrdreg s24  }
0xb0: {  	[dreg:$0x3] =	wrdreg s2  }
0xb1: {  	[dreg:$0x4] =	wrdreg s18  }
0xb2: {  	[dreg:$0x5] =	wrdreg $0x9  }
0xb3: {  	_ =	task.clear_ibuf [dreg:s8], $0x6FFFF;
	_ =	strace $0x90000046  }
0xb4: {  	s29 =	simm.s32 $0x9;
	_ =	strace $0x80000048  }
0xb5: {  	_ =	swait.ge [sflag:s29], $0x1  }
0xb6: {  	[sflag:s29] =	ssyncadd.s32 $0xFFFFFFFF  }
0xb7: {  	_ =	strace $0x90000048  }
0xb8: {  	_ =	sfence  }
0xb9: {  	s30 =	sld [smem:$0x0];
	_ =	sdelay $0x2  }
0xba: {  	s31 =	sshll.u32 s1, $0xD;
	s1 =	sshrl.u32 s1, $0x2  }
0xbb: {  	s3 =	sand.u32 $0x4000, s31;
	s1 =	sadd.s32 s1, s30  }
0xbc: {  	s0 =	sor.u32 s3, s0;
	s1 =	sshll.u32 s1, $0x11  }
0xbd: {  	s0 =	sor.u32 s1, s0  }
0xbe: {  	s0 =	sadd.s32 $0x8F2B, s0  }
0xbf: {  	[sflag:s0] =	ssyncadd.remote.s32 $0x1  }
0xc0: {  	_ =	sfence.sel $0xFFFF  }
0xc1: {  	[dreg:$0x0] =	wrdreg $0xFFFFFFFF;
	(pc) =	sbr.abs _section_cstart, $3  }
0xc2: {  	[dreg:$0x1] =	wrdreg $0xFFFFFFFF  }
0xc3: {  	_ =	task.clear_ibuf [dreg:s8], $0x2FFFF;
	_ =	strace $0x9FFFFFFF  }
0xc4: {  	(tm) =	ssettm $0x7FFFFFFF  }
0xc5: {  	_ =	shalt  }
tec
execute0_lowered:
.L_overlay_start_1:
0x0: {  	(tag) =	ssettag $0x1  }
0x1: {  	s0 =	rddreg [dreg:$0x0]  }
0x2: {  	s2 =	rddreg [dreg:$0x1]  }
0x3: {  	s1 =	rddreg [dreg:$0x2]  }
0x4: {  	s3 =	srdreg.scid;
	s5 =	stileid.u32;
	s28 =	simm.s32 $0x8A00  }
0x5: {  	s29 =	simm.s32 $0x9200;
	s4 =	sand.u32 $0x1, s3;
	s3 =	simm.s32 $0x0  }
0x6: {  	s5 =	sshll.u32 s5, $0x7;
	s6 =	sshll.u32 s4, $0x6;
	[smem:$0x7FF] =	sst s3  }
0x7: {  	s23 =	sadd.s32 $0x400, s0;
	s5 =	sor.u32 s6, s5;
	_ =	strace $0x80000047  }
0x8: {  	s7 =	sshrl.u32 s5, $0x3;
	s8 =	sshll.u32 s5, $0x6;
	s9 =	sor.u32 $0x800, s5  }
0x9: {  	s10 =	sor.u32 $0x1000, s5;
	s5 =	sor.u32 $0x1800, s5;
	s7 =	sadd.s32 s23, s7  }
0xa: {  	s24 =	sshrl.u32 s9, $0x3;
	s12 =	sadd.s32 s1, s8;
	[dreg:$0x4] =	wrdreg s7  }
0xb: {  	s11 =	sshrl.u32 s10, $0x3;
	s7 =	sadd.s32 s23, s24;
	[dreg:$0x14] =	wrdreg s12  }
0xc: {  	s26 =	sshrl.u32 s5, $0x3;
	s25 =	sadd.s32 s23, s11;
	[dreg:$0x5] =	wrdreg s7  }
0xd: {  	s0 =	sadd.s32 s8, s0;
	s6 =	sadd.s32 s23, s26;
	[dreg:$0x6] =	wrdreg s25  }
0xe: {  	s30 =	simm.s32 $0x9A00;
	s0 =	sadd.s32 $0x800, s0;
	[dreg:$0x7] =	wrdreg s6  }
0xf: {  	s14 =	sshll.u32 s9, $0x6;
	s13 =	sadd.s32 $0x800, s12;
	[dreg:$0x8] =	wrdreg s0  }
0x10: {  	s31 =	simm.s32 $0xA200;
	s15 =	sadd.s32 s1, s14;
	[dreg:$0x9] =	wrdreg s13  }
0x11: {  	s17 =	sshll.u32 s10, $0x6;
	s16 =	sadd.s32 $0x20800, s12;
	[dreg:$0xa] =	wrdreg s15  }
0x12: {  	s21 =	ssub.s32 $0x2, s4;
	s18 =	sadd.s32 s1, s17;
	[dreg:$0xb] =	wrdreg s16  }
0x13: {  	s5 =	sshll.u32 s5, $0x6;
	s19 =	sadd.s32 $0x40800, s12;
	[dreg:$0xc] =	wrdreg s18  }
0x14: {  	s4 =	sshrl.u32 s21, $0x1;
	s20 =	sadd.s32 s1, s5;
	[dreg:$0xd] =	wrdreg s19  }
0x15: {  	s22 =	sadd.s32 $0x60800, s12;
	s23 =	simm.s32 $0x80;
	[dreg:$0xe] =	wrdreg s20  }
0x16: {  	s1 =	ssub.s32 s21, s4;
	s24 =	simm.s32 $0x100;
	[dreg:$0xf] =	wrdreg s22  }
0x17: {  	s5 =	sadd.s32 $0x100, s2;
	s26 =	simm.s32 $0x200;
	[dreg:$0x10] =	wrdreg s23  }
0x18: {  	s14 =	simm.s32 $0xE200;
	s21 =	simm.s32 $0x12200;
	[dreg:$0x11] =	wrdreg s24  }
0x19: {  	s25 =	simm.s32 $0x180;
	s17 =	smax.u32 s1, $0x1;
	s7 =	simm.s32 $0x9  }
0x1a: {  	[dreg:$0x13] =	wrdreg s26;
	s24 =	simm.s32 $0xC200;
	s13 =	simm.s32 $0xDA00  }
0x1b: {  	v2 =	vlaneseq.u32;
	s15 =	simm.s32 $0xEA00;
	s18 =	simm.s32 $0xF200;
	s1 =	simm.s32 $0x10200  }
0x1c: {  	vm0 =	vmmov $0xffff;
	v1 =	vshrl.u32 v2, $0x3;
	s19 =	simm.s32 $0x11200;
	s20 =	simm.s32 $0x11A00;
	s22 =	simm.s32 $0x12A00  }
0x1d: {  	v0 =	vand.u32 $0x7, v2;
	v2 =	vor.u32 $0x8, v2;
	v1 =	vmul.u32 $0x8, v1;
	s23 =	simm.s32 $0x13200;
	s16 =	simm.s32 $0x13A00;
	[dreg:$0x12] =	wrdreg s25  }
.LBB2_1:
0x1e: {  	s25 =	rddreg [dreg:$0x4]  }
0x1f: {  	[tilespmem:s3], [sflag:$0x9] =	stream.linear.gather [hbm4b:s25+s3], $0x40, $0x38;
	[tilespmem:$0x18200] =	vst v63  }
0x20: {  	_ =	swait.ge [sflag:s7], $0x40  }
0x21: {  	s8 =	rddreg [dreg:$0x5];
	[sflag:s7] =	ssyncset.done $0x0  }
0x22: {  	s26 =	rddreg [dreg:$0x10];
	[sflag:s7] =	ssyncadd.s32 $0xFFFFFFC0  }
0x23: {  	[tilespmem:s26], [sflag:$0x9] =	stream.linear.gather [hbm4b:s8+s3], $0x40, $0x38;
	[tilespmem:$0x18200] =	vst v63  }
0x24: {  	_ =	swait.ge [sflag:s7], $0x40  }
0x25: {  	s9 =	rddreg [dreg:$0x6];
	[sflag:s7] =	ssyncset.done $0x0  }
0x26: {  	s10 =	rddreg [dreg:$0x11];
	[sflag:s7] =	ssyncadd.s32 $0xFFFFFFC0  }
0x27: {  	[tilespmem:s10], [sflag:$0x9] =	stream.linear.gather [hbm4b:s9+s3], $0x40, $0x38;
	[tilespmem:$0x18200] =	vst v63  }
0x28: {  	_ =	swait.ge [sflag:s7], $0x40  }
0x29: {  	s11 =	rddreg [dreg:$0x7];
	[sflag:s7] =	ssyncset.done $0x0  }
0x2a: {  	s12 =	rddreg [dreg:$0x12];
	[sflag:s7] =	ssyncadd.s32 $0xFFFFFFC0  }
0x2b: {  	[tilespmem:s12], [sflag:$0x9] =	stream.linear.gather [hbm4b:s11+s3], $0x40, $0x38;
	[tilespmem:$0x18200] =	vst v63  }
0x2c: {  	_ =	swait.ge [sflag:s7], $0x40  }
0x2d: {  	[sflag:s7] =	ssyncset.done $0x0  }
0x2e: {  	[sflag:s7] =	ssyncadd.s32 $0xFFFFFFC0  }
0x2f: {  	v3 =	vld [tilespmem:$0x0];
	_ =	sdelay $0x4  }
0x30: {  	v4 =	vshll.u32 v3, $0x2  }
0x31: {  	v3 =	vand.u32 $0x7, v3;
	v4 =	vand.u32 $0xFFFFFFE0, v4  }
0x32: {  	v3 =	vor.u32 v3, v4  }
0x33: {  	v4 =	vperm.xlane v3, v0;
	_ =	sdelay $0x1  }
0x34: {  	v4 =	vadd.s32 v1, v4;
	_ =	sdelay $0x1  }
0x35: {  	v3 =	vperm.xlane v3, v2;
	_ =	sdelay $0x1  }
0x36: {  	s0 =	simm.s32 $0x8200;
	v3 =	vadd.s32 v1, v3  }
0x37: {  	[tilespmem:s0], [sflag:$0x1] =	stream.indirect_vreg.gather [hbm4b:s2+s3], $0x80, v4, vm0, $0xb8;
	[tilespmem:$0x18200] =	vst v63  }
0x38: {  	_ = 	snop  }
0x39: {  	[tilespmem:s28], [sflag:$0x1] =	stream.indirect_vreg.gather [hbm4b:s5+s3], $0x80, v4, vm0, $0xb8;
	[tilespmem:$0x18200] =	vst v63  }
0x3a: {  	_ = 	snop  }
0x3b: {  	[tilespmem:s29], [sflag:$0x1] =	stream.indirect_vreg.gather [hbm4b:s2+s3], $0x80, v3, vm0, $0xb8;
	[tilespmem:$0x18200] =	vst v63  }
0x3c: {  	_ = 	snop  }
0x3d: {  	[tilespmem:s30], [sflag:$0x1] =	stream.indirect_vreg.gather [hbm4b:s5+s3], $0x80, v3, vm0, $0xb8;
	[tilespmem:$0x18200] =	vst v63  }
0x3e: {  	v3 =	vld [tilespmem:$0x10];
	_ =	sdelay $0x4  }
0x3f: {  	v49 =	vshll.u32 v3, $0x2  }
0x40: {  	v3 =	vand.u32 $0x7, v3;
	v4 =	vand.u32 $0xFFFFFFE0, v49  }
0x41: {  	v3 =	vor.u32 v3, v4  }
0x42: {  	v4 =	vperm.xlane v3, v0;
	_ =	sdelay $0x1  }
0x43: {  	v4 =	vadd.s32 v1, v4;
	_ =	sdelay $0x1  }
0x44: {  	v3 =	vperm.xlane v3, v2;
	_ =	sdelay $0x1  }
0x45: {  	v3 =	vadd.s32 v1, v3  }
0x46: {  	[tilespmem:s31], [sflag:$0x1] =	stream.indirect_vreg.gather [hbm4b:s2+s3], $0x80, v4, vm0, $0xb8;
	[tilespmem:$0x18200] =	vst v63  }
0x47: {  	s4 =	simm.s32 $0xAA00  }
0x48: {  	[tilespmem:s4], [sflag:$0x1] =	stream.indirect_vreg.gather [hbm4b:s5+s3], $0x80, v4, vm0, $0xb8;
	[tilespmem:$0x18200] =	vst v63  }
0x49: {  	s9 =	simm.s32 $0xB200  }
0x4a: {  	[tilespmem:s9], [sflag:$0x1] =	stream.indirect_vreg.gather [hbm4b:s2+s3], $0x80, v3, vm0, $0xb8;
	[tilespmem:$0x18200] =	vst v63  }
0x4b: {  	s10 =	simm.s32 $0xBA00  }
0x4c: {  	[tilespmem:s10], [sflag:$0x1] =	stream.indirect_vreg.gather [hbm4b:s5+s3], $0x80, v3, vm0, $0xb8;
	[tilespmem:$0x18200] =	vst v63  }
0x4d: {  	v3 =	vld [tilespmem:$0x20];
	_ =	sdelay $0x4  }
0x4e: {  	v50 =	vshll.u32 v3, $0x2  }
0x4f: {  	v3 =	vand.u32 $0x7, v3;
	v4 =	vand.u32 $0xFFFFFFE0, v50  }
0x50: {  	v3 =	vor.u32 v3, v4  }
0x51: {  	v4 =	vperm.xlane v3, v0;
	_ =	sdelay $0x1  }
0x52: {  	v4 =	vadd.s32 v1, v4;
	_ =	sdelay $0x1  }
0x53: {  	v3 =	vperm.xlane v3, v2;
	_ =	sdelay $0x1  }
0x54: {  	v3 =	vadd.s32 v1, v3  }
0x55: {  	[tilespmem:s24], [sflag:$0x2] =	stream.indirect_vreg.gather [hbm4b:s2+s3], $0x80, v4, vm0, $0xb8;
	[tilespmem:$0x18200] =	vst v63  }
0x56: {  	s11 =	simm.s32 $0xCA00  }
0x57: {  	[tilespmem:s11], [sflag:$0x2] =	stream.indirect_vreg.gather [hbm4b:s5+s3], $0x80, v4, vm0, $0xb8;
	[tilespmem:$0x18200] =	vst v63  }
0x58: {  	s12 =	simm.s32 $0xD200  }
0x59: {  	[tilespmem:s12], [sflag:$0x2] =	stream.indirect_vreg.gather [hbm4b:s2+s3], $0x80, v3, vm0, $0xb8;
	[tilespmem:$0x18200] =	vst v63  }
0x5a: {  	_ = 	snop  }
0x5b: {  	[tilespmem:s13], [sflag:$0x2] =	stream.indirect_vreg.gather [hbm4b:s5+s3], $0x80, v3, vm0, $0xb8;
	[tilespmem:$0x18200] =	vst v63  }
0x5c: {  	v3 =	vld [tilespmem:$0x30];
	_ =	sdelay $0x4  }
0x5d: {  	v51 =	vshll.u32 v3, $0x2  }
0x5e: {  	v3 =	vand.u32 $0x7, v3;
	v4 =	vand.u32 $0xFFFFFFE0, v51  }
0x5f: {  	v3 =	vor.u32 v3, v4  }
0x60: {  	v4 =	vperm.xlane v3, v0;
	_ =	sdelay $0x1  }
0x61: {  	v4 =	vadd.s32 v1, v4;
	_ =	sdelay $0x1  }
0x62: {  	v3 =	vperm.xlane v3, v2;
	_ =	sdelay $0x1  }
0x63: {  	v3 =	vadd.s32 v1, v3  }
0x64: {  	[tilespmem:s14], [sflag:$0x2] =	stream.indirect_vreg.gather [hbm4b:s2+s3], $0x80, v4, vm0, $0xb8;
	[tilespmem:$0x18200] =	vst v63  }
0x65: {  	_ = 	snop  }
0x66: {  	[tilespmem:s15], [sflag:$0x2] =	stream.indirect_vreg.gather [hbm4b:s5+s3], $0x80, v4, vm0, $0xb8;
	[tilespmem:$0x18200] =	vst v63  }
0x67: {  	_ = 	snop  }
0x68: {  	[tilespmem:s18], [sflag:$0x2] =	stream.indirect_vreg.gather [hbm4b:s2+s3], $0x80, v3, vm0, $0xb8;
	[tilespmem:$0x18200] =	vst v63  }
0x69: {  	s8 =	simm.s32 $0xFA00  }
0x6a: {  	[tilespmem:s8], [sflag:$0x2] =	stream.indirect_vreg.gather [hbm4b:s5+s3], $0x80, v3, vm0, $0xb8;
	[tilespmem:$0x18200] =	vst v63  }
0x6b: {  	v3 =	vld [tilespmem:$0x80];
	_ =	sdelay $0x4  }
0x6c: {  	v52 =	vshll.u32 v3, $0x2  }
0x6d: {  	v3 =	vand.u32 $0x7, v3;
	v4 =	vand.u32 $0xFFFFFFE0, v52  }
0x6e: {  	v3 =	vor.u32 v3, v4  }
0x6f: {  	v4 =	vperm.xlane v3, v0;
	_ =	sdelay $0x1  }
0x70: {  	v4 =	vadd.s32 v1, v4;
	_ =	sdelay $0x1  }
0x71: {  	v3 =	vperm.xlane v3, v2;
	_ =	sdelay $0x1  }
0x72: {  	v3 =	vadd.s32 v1, v3  }
0x73: {  	[tilespmem:s1], [sflag:$0x3] =	stream.indirect_vreg.gather [hbm4b:s2+s3], $0x80, v4, vm0, $0xb8;
	[tilespmem:$0x18200] =	vst v63  }
0x74: {  	s25 =	simm.s32 $0x10A00  }
0x75: {  	[tilespmem:s25], [sflag:$0x3] =	stream.indirect_vreg.gather [hbm4b:s5+s3], $0x80, v4, vm0, $0xb8;
	[tilespmem:$0x18200] =	vst v63  }
0x76: {  	_ = 	snop  }
0x77: {  	[tilespmem:s19], [sflag:$0x3] =	stream.indirect_vreg.gather [hbm4b:s2+s3], $0x80, v3, vm0, $0xb8;
	[tilespmem:$0x18200] =	vst v63  }
0x78: {  	_ = 	snop  }
0x79: {  	[tilespmem:s20], [sflag:$0x3] =	stream.indirect_vreg.gather [hbm4b:s5+s3], $0x80, v3, vm0, $0xb8;
	[tilespmem:$0x18200] =	vst v63  }
0x7a: {  	v3 =	vld [tilespmem:$0x90];
	_ =	sdelay $0x4  }
0x7b: {  	v53 =	vshll.u32 v3, $0x2  }
0x7c: {  	v3 =	vand.u32 $0x7, v3;
	v4 =	vand.u32 $0xFFFFFFE0, v53  }
0x7d: {  	v3 =	vor.u32 v3, v4  }
0x7e: {  	v4 =	vperm.xlane v3, v0;
	_ =	sdelay $0x1  }
0x7f: {  	v4 =	vadd.s32 v1, v4;
	_ =	sdelay $0x1  }
0x80: {  	v3 =	vperm.xlane v3, v2;
	_ =	sdelay $0x1  }
0x81: {  	v3 =	vadd.s32 v1, v3  }
0x82: {  	[tilespmem:s21], [sflag:$0x3] =	stream.indirect_vreg.gather [hbm4b:s2+s3], $0x80, v4, vm0, $0xb8;
	[tilespmem:$0x18200] =	vst v63  }
0x83: {  	_ = 	snop  }
0x84: {  	[tilespmem:s22], [sflag:$0x3] =	stream.indirect_vreg.gather [hbm4b:s5+s3], $0x80, v4, vm0, $0xb8;
	[tilespmem:$0x18200] =	vst v63  }
0x85: {  	_ = 	snop  }
0x86: {  	[tilespmem:s23], [sflag:$0x3] =	stream.indirect_vreg.gather [hbm4b:s2+s3], $0x80, v3, vm0, $0xb8;
	[tilespmem:$0x18200] =	vst v63  }
0x87: {  	s26 =	rddreg [dreg:$0x8]  }
0x88: {  	[tilespmem:s16], [sflag:$0x3] =	stream.indirect_vreg.gather [hbm4b:s5+s3], $0x80, v3, vm0, $0xb8;
	[tilespmem:$0x18200] =	vst v63  }
0x89: {  	s0 =	rddreg [dreg:$0x13]  }
0x8a: {  	[tilespmem:s0], [sflag:$0x9] =	stream.linear.gather [hbm4b:s26+s3], $0x8000, $0x38;
	[tilespmem:$0x18200] =	vst v63  }
0x8b: {  	_ =	swait.ge [sflag:s7], $0x8000  }
0x8c: {  	[sflag:s7] =	ssyncset.done $0x0  }
0x8d: {  	[sflag:s7] =	ssyncadd.s32 $0xFFFF8000  }
0x8e: {  	v3 =	vld [tilespmem:$0xA0];
	_ =	sdelay $0x4  }
0x8f: {  	v54 =	vshll.u32 v3, $0x2  }
0x90: {  	v3 =	vand.u32 $0x7, v3;
	v4 =	vand.u32 $0xFFFFFFE0, v54  }
0x91: {  	v3 =	vor.u32 v3, v4  }
0x92: {  	v4 =	vperm.xlane v3, v0;
	_ =	sdelay $0x1  }
0x93: {  	v4 =	vadd.s32 v1, v4;
	_ =	sdelay $0x1  }
0x94: {  	v3 =	vperm.xlane v3, v2;
	_ =	sdelay $0x1  }
0x95: {  	s26 =	simm.s32 $0x14200;
	v3 =	vadd.s32 v1, v3  }
0x96: {  	[tilespmem:s26], [sflag:$0x4] =	stream.indirect_vreg.gather [hbm4b:s2+s3], $0x80, v4, vm0, $0xb8;
	[tilespmem:$0x18200] =	vst v63  }
0x97: {  	s6 =	simm.s32 $0x14A00  }
0x98: {  	[tilespmem:s6], [sflag:$0x4] =	stream.indirect_vreg.gather [hbm4b:s5+s3], $0x80, v4, vm0, $0xb8;
	[tilespmem:$0x18200] =	vst v63  }
0x99: {  	s25 =	simm.s32 $0x15200  }
0x9a: {  	[tilespmem:s25], [sflag:$0x4] =	stream.indirect_vreg.gather [hbm4b:s2+s3], $0x80, v3, vm0, $0xb8;
	[tilespmem:$0x18200] =	vst v63  }
0x9b: {  	s6 =	simm.s32 $0x15A00  }
0x9c: {  	[tilespmem:s6], [sflag:$0x4] =	stream.indirect_vreg.gather [hbm4b:s5+s3], $0x80, v3, vm0, $0xb8;
	[tilespmem:$0x18200] =	vst v63  }
0x9d: {  	v3 =	vld [tilespmem:$0xB0];
	_ =	sdelay $0x4  }
0x9e: {  	v55 =	vshll.u32 v3, $0x2  }
0x9f: {  	v3 =	vand.u32 $0x7, v3;
	v4 =	vand.u32 $0xFFFFFFE0, v55  }
0xa0: {  	v3 =	vor.u32 v3, v4  }
0xa1: {  	v4 =	vperm.xlane v3, v0;
	_ =	sdelay $0x1  }
0xa2: {  	v4 =	vadd.s32 v1, v4;
	_ =	sdelay $0x1  }
0xa3: {  	v3 =	vperm.xlane v3, v2;
	_ =	sdelay $0x1  }
0xa4: {  	s25 =	simm.s32 $0x16200;
	v3 =	vadd.s32 v1, v3  }
0xa5: {  	[tilespmem:s25], [sflag:$0x4] =	stream.indirect_vreg.gather [hbm4b:s2+s3], $0x80, v4, vm0, $0xb8;
	[tilespmem:$0x18200] =	vst v63  }
0xa6: {  	s6 =	simm.s32 $0x16A00  }
0xa7: {  	[tilespmem:s6], [sflag:$0x4] =	stream.indirect_vreg.gather [hbm4b:s5+s3], $0x80, v4, vm0, $0xb8;
	[tilespmem:$0x18200] =	vst v63  }
0xa8: {  	s25 =	simm.s32 $0x17200  }
0xa9: {  	[tilespmem:s25], [sflag:$0x4] =	stream.indirect_vreg.gather [hbm4b:s2+s3], $0x80, v3, vm0, $0xb8;
	[tilespmem:$0x18200] =	vst v63  }
0xaa: {  	s0 =	simm.s32 $0x1;
	s6 =	simm.s32 $0x17A00  }
0xab: {  	[tilespmem:s6], [sflag:$0x4] =	stream.indirect_vreg.gather [hbm4b:s5+s3], $0x80, v3, vm0, $0xb8;
	[tilespmem:$0x18200] =	vst v63  }
0xac: {  	_ =	swait.ge [sflag:s0], $0x4000  }
0xad: {  	[sflag:s0] =	ssyncset.done $0x0  }
0xae: {  	s6 =	simm.s32 $0x8200;
	s25 =	rddreg [dreg:$0x14];
	[sflag:s0] =	ssyncadd.s32 $0xFFFFC000  }
0xaf: {  	[hbm4b:s25+s3] =	stream.linear.scatter [tilespmem:s6], [sflag:$0x5], $0x4000, $0x38;
	[tilespmem:$0x18200] =	vst v63  }
0xb0: {  	s25 =	simm.s32 $0x5  }
0xb1: {  	_ =	swait.ge [sflag:s25], $0x4000  }
0xb2: {  	[sflag:s25] =	ssyncset.done $0x0  }
0xb3: {  	[sflag:s25] =	ssyncadd.s32 $0xFFFFC000  }
0xb4: {  	v3 =	vld [tilespmem:$0x100];
	_ =	sdelay $0x4  }
0xb5: {  	v56 =	vshll.u32 v3, $0x2  }
0xb6: {  	v3 =	vand.u32 $0x7, v3;
	v4 =	vand.u32 $0xFFFFFFE0, v56  }
0xb7: {  	v3 =	vor.u32 v3, v4  }
0xb8: {  	v4 =	vperm.xlane v3, v0;
	_ =	sdelay $0x1  }
0xb9: {  	v4 =	vadd.s32 v1, v4;
	_ =	sdelay $0x1  }
0xba: {  	v3 =	vperm.xlane v3, v2;
	_ =	sdelay $0x1  }
0xbb: {  	v3 =	vadd.s32 v1, v3  }
0xbc: {  	[tilespmem:s6], [sflag:$0x1] =	stream.indirect_vreg.gather [hbm4b:s2+s3], $0x80, v4, vm0, $0xb8;
	[tilespmem:$0x18200] =	vst v63  }
0xbd: {  	_ = 	snop  }
0xbe: {  	[tilespmem:s28], [sflag:$0x1] =	stream.indirect_vreg.gather [hbm4b:s5+s3], $0x80, v4, vm0, $0xb8;
	[tilespmem:$0x18200] =	vst v63  }
0xbf: {  	_ = 	snop  }
0xc0: {  	[tilespmem:s29], [sflag:$0x1] =	stream.indirect_vreg.gather [hbm4b:s2+s3], $0x80, v3, vm0, $0xb8;
	[tilespmem:$0x18200] =	vst v63  }
0xc1: {  	_ = 	snop  }
0xc2: {  	[tilespmem:s30], [sflag:$0x1] =	stream.indirect_vreg.gather [hbm4b:s5+s3], $0x80, v3, vm0, $0xb8;
	[tilespmem:$0x18200] =	vst v63  }
0xc3: {  	v3 =	vld [tilespmem:$0x110];
	_ =	sdelay $0x4  }
0xc4: {  	v57 =	vshll.u32 v3, $0x2  }
0xc5: {  	v3 =	vand.u32 $0x7, v3;
	v4 =	vand.u32 $0xFFFFFFE0, v57  }
0xc6: {  	v3 =	vor.u32 v3, v4  }
0xc7: {  	v4 =	vperm.xlane v3, v0;
	_ =	sdelay $0x1  }
0xc8: {  	v4 =	vadd.s32 v1, v4;
	_ =	sdelay $0x1  }
0xc9: {  	v3 =	vperm.xlane v3, v2;
	_ =	sdelay $0x1  }
0xca: {  	v3 =	vadd.s32 v1, v3  }
0xcb: {  	[tilespmem:s31], [sflag:$0x1] =	stream.indirect_vreg.gather [hbm4b:s2+s3], $0x80, v4, vm0, $0xb8;
	[tilespmem:$0x18200] =	vst v63  }
0xcc: {  	_ = 	snop  }
0xcd: {  	[tilespmem:s4], [sflag:$0x1] =	stream.indirect_vreg.gather [hbm4b:s5+s3], $0x80, v4, vm0, $0xb8;
	[tilespmem:$0x18200] =	vst v63  }
0xce: {  	_ = 	snop  }
0xcf: {  	[tilespmem:s9], [sflag:$0x1] =	stream.indirect_vreg.gather [hbm4b:s2+s3], $0x80, v3, vm0, $0xb8;
	[tilespmem:$0x18200] =	vst v63  }
0xd0: {  	s4 =	simm.s32 $0x2  }
0xd1: {  	[tilespmem:s10], [sflag:$0x1] =	stream.indirect_vreg.gather [hbm4b:s5+s3], $0x80, v3, vm0, $0xb8;
	[tilespmem:$0x18200] =	vst v63  }
0xd2: {  	_ =	swait.ge [sflag:s4], $0x4000  }
0xd3: {  	[sflag:s4] =	ssyncset.done $0x0  }
0xd4: {  	s9 =	rddreg [dreg:$0x9];
	[sflag:s4] =	ssyncadd.s32 $0xFFFFC000  }
0xd5: {  	[hbm4b:s9+s3] =	stream.linear.scatter [tilespmem:s24], [sflag:$0x6], $0x4000, $0x38;
	[tilespmem:$0x18200] =	vst v63  }
0xd6: {  	s9 =	simm.s32 $0x6  }
0xd7: {  	_ =	swait.ge [sflag:s9], $0x4000  }
0xd8: {  	[sflag:s9] =	ssyncset.done $0x0  }
0xd9: {  	[sflag:s9] =	ssyncadd.s32 $0xFFFFC000  }
0xda: {  	v3 =	vld [tilespmem:$0x120];
	_ =	sdelay $0x4  }
0xdb: {  	v58 =	vshll.u32 v3, $0x2  }
0xdc: {  	v3 =	vand.u32 $0x7, v3;
	v4 =	vand.u32 $0xFFFFFFE0, v58  }
0xdd: {  	v3 =	vor.u32 v3, v4  }
0xde: {  	v4 =	vperm.xlane v3, v0;
	_ =	sdelay $0x1  }
0xdf: {  	v4 =	vadd.s32 v1, v4;
	_ =	sdelay $0x1  }
0xe0: {  	v3 =	vperm.xlane v3, v2;
	_ =	sdelay $0x1  }
0xe1: {  	v3 =	vadd.s32 v1, v3  }
0xe2: {  	[tilespmem:s24], [sflag:$0x2] =	stream.indirect_vreg.gather [hbm4b:s2+s3], $0x80, v4, vm0, $0xb8;
	[tilespmem:$0x18200] =	vst v63  }
0xe3: {  	_ = 	snop  }
0xe4: {  	[tilespmem:s11], [sflag:$0x2] =	stream.indirect_vreg.gather [hbm4b:s5+s3], $0x80, v4, vm0, $0xb8;
	[tilespmem:$0x18200] =	vst v63  }
0xe5: {  	_ = 	snop  }
0xe6: {  	[tilespmem:s12], [sflag:$0x2] =	stream.indirect_vreg.gather [hbm4b:s2+s3], $0x80, v3, vm0, $0xb8;
	[tilespmem:$0x18200] =	vst v63  }
0xe7: {  	_ = 	snop  }
0xe8: {  	[tilespmem:s13], [sflag:$0x2] =	stream.indirect_vreg.gather [hbm4b:s5+s3], $0x80, v3, vm0, $0xb8;
	[tilespmem:$0x18200] =	vst v63  }
0xe9: {  	v3 =	vld [tilespmem:$0x130];
	_ =	sdelay $0x4  }
0xea: {  	v59 =	vshll.u32 v3, $0x2  }
0xeb: {  	v3 =	vand.u32 $0x7, v3;
	v4 =	vand.u32 $0xFFFFFFE0, v59  }
0xec: {  	v3 =	vor.u32 v3, v4  }
0xed: {  	v4 =	vperm.xlane v3, v0;
	_ =	sdelay $0x1  }
0xee: {  	v4 =	vadd.s32 v1, v4;
	_ =	sdelay $0x1  }
0xef: {  	v3 =	vperm.xlane v3, v2;
	_ =	sdelay $0x1  }
0xf0: {  	v3 =	vadd.s32 v1, v3  }
0xf1: {  	[tilespmem:s14], [sflag:$0x2] =	stream.indirect_vreg.gather [hbm4b:s2+s3], $0x80, v4, vm0, $0xb8;
	[tilespmem:$0x18200] =	vst v63  }
0xf2: {  	_ = 	snop  }
0xf3: {  	[tilespmem:s15], [sflag:$0x2] =	stream.indirect_vreg.gather [hbm4b:s5+s3], $0x80, v4, vm0, $0xb8;
	[tilespmem:$0x18200] =	vst v63  }
0xf4: {  	_ = 	snop  }
0xf5: {  	[tilespmem:s18], [sflag:$0x2] =	stream.indirect_vreg.gather [hbm4b:s2+s3], $0x80, v3, vm0, $0xb8;
	[tilespmem:$0x18200] =	vst v63  }
0xf6: {  	_ = 	snop  }
0xf7: {  	[tilespmem:s8], [sflag:$0x2] =	stream.indirect_vreg.gather [hbm4b:s5+s3], $0x80, v3, vm0, $0xb8;
	[tilespmem:$0x18200] =	vst v63  }
0xf8: {  	s8 =	simm.s32 $0x3  }
0xf9: {  	_ =	swait.ge [sflag:s8], $0x4000  }
0xfa: {  	[sflag:s8] =	ssyncset.done $0x0  }
0xfb: {  	s10 =	rddreg [dreg:$0xa];
	[sflag:s8] =	ssyncadd.s32 $0xFFFFC000  }
0xfc: {  	[hbm4b:s10+s3] =	stream.linear.scatter [tilespmem:s1], [sflag:$0x7], $0x4000, $0x38;
	[tilespmem:$0x18200] =	vst v63  }
0xfd: {  	s10 =	simm.s32 $0x7  }
0xfe: {  	_ =	swait.ge [sflag:s10], $0x4000  }
0xff: {  	[sflag:s10] =	ssyncset.done $0x0  }
0x100: {  	[sflag:s10] =	ssyncadd.s32 $0xFFFFC000  }
0x101: {  	v3 =	vld [tilespmem:$0x180];
	_ =	sdelay $0x4  }
0x102: {  	v60 =	vshll.u32 v3, $0x2  }
0x103: {  	v3 =	vand.u32 $0x7, v3;
	v4 =	vand.u32 $0xFFFFFFE0, v60  }
0x104: {  	v3 =	vor.u32 v3, v4  }
0x105: {  	v4 =	vperm.xlane v3, v0;
	_ =	sdelay $0x1  }
0x106: {  	v4 =	vadd.s32 v1, v4;
	_ =	sdelay $0x1  }
0x107: {  	v3 =	vperm.xlane v3, v2;
	_ =	sdelay $0x1  }
0x108: {  	v3 =	vadd.s32 v1, v3  }
0x109: {  	[tilespmem:s1], [sflag:$0x3] =	stream.indirect_vreg.gather [hbm4b:s2+s3], $0x80, v4, vm0, $0xb8;
	[tilespmem:$0x18200] =	vst v63  }
0x10a: {  	s11 =	simm.s32 $0x10A00  }
0x10b: {  	[tilespmem:s11], [sflag:$0x3] =	stream.indirect_vreg.gather [hbm4b:s5+s3], $0x80, v4, vm0, $0xb8;
	[tilespmem:$0x18200] =	vst v63  }
0x10c: {  	_ = 	snop  }
0x10d: {  	[tilespmem:s19], [sflag:$0x3] =	stream.indirect_vreg.gather [hbm4b:s2+s3], $0x80, v3, vm0, $0xb8;
	[tilespmem:$0x18200] =	vst v63  }
0x10e: {  	_ = 	snop  }
0x10f: {  	[tilespmem:s20], [sflag:$0x3] =	stream.indirect_vreg.gather [hbm4b:s5+s3], $0x80, v3, vm0, $0xb8;
	[tilespmem:$0x18200] =	vst v63  }
0x110: {  	v3 =	vld [tilespmem:$0x190];
	_ =	sdelay $0x4  }
0x111: {  	v61 =	vshll.u32 v3, $0x2  }
0x112: {  	v3 =	vand.u32 $0x7, v3;
	v4 =	vand.u32 $0xFFFFFFE0, v61  }
0x113: {  	v3 =	vor.u32 v3, v4  }
0x114: {  	v4 =	vperm.xlane v3, v0;
	_ =	sdelay $0x1  }
0x115: {  	v4 =	vadd.s32 v1, v4;
	_ =	sdelay $0x1  }
0x116: {  	v3 =	vperm.xlane v3, v2;
	_ =	sdelay $0x1  }
0x117: {  	v3 =	vadd.s32 v1, v3  }
0x118: {  	[tilespmem:s21], [sflag:$0x3] =	stream.indirect_vreg.gather [hbm4b:s2+s3], $0x80, v4, vm0, $0xb8;
	[tilespmem:$0x18200] =	vst v63  }
0x119: {  	_ = 	snop  }
0x11a: {  	[tilespmem:s22], [sflag:$0x3] =	stream.indirect_vreg.gather [hbm4b:s5+s3], $0x80, v4, vm0, $0xb8;
	[tilespmem:$0x18200] =	vst v63  }
0x11b: {  	_ = 	snop  }
0x11c: {  	[tilespmem:s23], [sflag:$0x3] =	stream.indirect_vreg.gather [hbm4b:s2+s3], $0x80, v3, vm0, $0xb8;
	[tilespmem:$0x18200] =	vst v63  }
0x11d: {  	s11 =	simm.s32 $0x4  }
0x11e: {  	[tilespmem:s16], [sflag:$0x3] =	stream.indirect_vreg.gather [hbm4b:s5+s3], $0x80, v3, vm0, $0xb8;
	[tilespmem:$0x18200] =	vst v63  }
0x11f: {  	_ =	swait.ge [sflag:s11], $0x4000  }
0x120: {  	[sflag:s11] =	ssyncset.done $0x0  }
0x121: {  	s12 =	rddreg [dreg:$0xb];
	[sflag:s11] =	ssyncadd.s32 $0xFFFFC000  }
0x122: {  	[hbm4b:s12+s3] =	stream.linear.scatter [tilespmem:s26], [sflag:$0x8], $0x4000, $0x38;
	[tilespmem:$0x18200] =	vst v63  }
0x123: {  	s12 =	simm.s32 $0x8  }
0x124: {  	_ =	swait.ge [sflag:s12], $0x4000  }
0x125: {  	[sflag:s12] =	ssyncset.done $0x0  }
0x126: {  	[sflag:s12] =	ssyncadd.s32 $0xFFFFC000  }
0x127: {  	v3 =	vld [tilespmem:$0x1A0];
	_ =	sdelay $0x4  }
0x128: {  	v62 =	vshll.u32 v3, $0x2  }
0x129: {  	v3 =	vand.u32 $0x7, v3;
	v4 =	vand.u32 $0xFFFFFFE0, v62  }
0x12a: {  	v3 =	vor.u32 v3, v4  }
0x12b: {  	v4 =	vperm.xlane v3, v0;
	_ =	sdelay $0x1  }
0x12c: {  	v4 =	vadd.s32 v1, v4;
	_ =	sdelay $0x1  }
0x12d: {  	v3 =	vperm.xlane v3, v2;
	_ =	sdelay $0x1  }
0x12e: {  	v3 =	vadd.s32 v1, v3  }
0x12f: {  	[tilespmem:s26], [sflag:$0x4] =	stream.indirect_vreg.gather [hbm4b:s2+s3], $0x80, v4, vm0, $0xb8;
	[tilespmem:$0x18200] =	vst v63  }
0x130: {  	s25 =	simm.s32 $0x14A00  }
0x131: {  	[tilespmem:s25], [sflag:$0x4] =	stream.indirect_vreg.gather [hbm4b:s5+s3], $0x80, v4, vm0, $0xb8;
	[tilespmem:$0x18200] =	vst v63  }
0x132: {  	s25 =	simm.s32 $0x15200  }
0x133: {  	[tilespmem:s25], [sflag:$0x4] =	stream.indirect_vreg.gather [hbm4b:s2+s3], $0x80, v3, vm0, $0xb8;
	[tilespmem:$0x18200] =	vst v63  }
0x134: {  	s25 =	simm.s32 $0x15A00  }
0x135: {  	[tilespmem:s25], [sflag:$0x4] =	stream.indirect_vreg.gather [hbm4b:s5+s3], $0x80, v3, vm0, $0xb8;
	[tilespmem:$0x18200] =	vst v63  }
0x136: {  	v3 =	vld [tilespmem:$0x1B0];
	_ =	sdelay $0x4  }
0x137: {  	v63 =	vshll.u32 v3, $0x2  }
0x138: {  	v3 =	vand.u32 $0x7, v3;
	v4 =	vand.u32 $0xFFFFFFE0, v63  }
0x139: {  	v3 =	vor.u32 v3, v4  }
0x13a: {  	v4 =	vperm.xlane v3, v0;
	_ =	sdelay $0x1  }
0x13b: {  	v4 =	vadd.s32 v1, v4;
	_ =	sdelay $0x1  }
0x13c: {  	v3 =	vperm.xlane v3, v2;
	_ =	sdelay $0x1  }
0x13d: {  	s25 =	simm.s32 $0x16200;
	v3 =	vadd.s32 v1, v3  }
0x13e: {  	[tilespmem:s25], [sflag:$0x4] =	stream.indirect_vreg.gather [hbm4b:s2+s3], $0x80, v4, vm0, $0xb8;
	[tilespmem:$0x18200] =	vst v63  }
0x13f: {  	s25 =	simm.s32 $0x16A00  }
0x140: {  	[tilespmem:s25], [sflag:$0x4] =	stream.indirect_vreg.gather [hbm4b:s5+s3], $0x80, v4, vm0, $0xb8;
	[tilespmem:$0x18200] =	vst v63  }
0x141: {  	s25 =	simm.s32 $0x17200  }
0x142: {  	[tilespmem:s25], [sflag:$0x4] =	stream.indirect_vreg.gather [hbm4b:s2+s3], $0x80, v3, vm0, $0xb8;
	[tilespmem:$0x18200] =	vst v63  }
0x143: {  	s25 =	simm.s32 $0x17A00  }
0x144: {  	[tilespmem:s25], [sflag:$0x4] =	stream.indirect_vreg.gather [hbm4b:s5+s3], $0x80, v3, vm0, $0xb8;
	[tilespmem:$0x18200] =	vst v63  }
0x145: {  	_ =	swait.ge [sflag:s0], $0x4000  }
0x146: {  	[sflag:s0] =	ssyncset.done $0x0  }
0x147: {  	s6 =	simm.s32 $0x8200;
	s25 =	rddreg [dreg:$0xc];
	[sflag:s0] =	ssyncadd.s32 $0xFFFFC000  }
0x148: {  	[hbm4b:s25+s3] =	stream.linear.scatter [tilespmem:s6], [sflag:$0x5], $0x4000, $0x38;
	[tilespmem:$0x18200] =	vst v63  }
0x149: {  	_ =	swait.ge [sflag:s4], $0x4000  }
0x14a: {  	[sflag:s4] =	ssyncset.done $0x0  }
0x14b: {  	s0 =	rddreg [dreg:$0xd];
	[sflag:s4] =	ssyncadd.s32 $0xFFFFC000  }
0x14c: {  	[hbm4b:s0+s3] =	stream.linear.scatter [tilespmem:s24], [sflag:$0x6], $0x4000, $0x38;
	[tilespmem:$0x18200] =	vst v63  }
0x14d: {  	_ =	swait.ge [sflag:s8], $0x4000  }
0x14e: {  	[sflag:s8] =	ssyncset.done $0x0  }
0x14f: {  	s6 =	rddreg [dreg:$0xe];
	[sflag:s8] =	ssyncadd.s32 $0xFFFFC000  }
0x150: {  	[hbm4b:s6+s3] =	stream.linear.scatter [tilespmem:s1], [sflag:$0x7], $0x4000, $0x38;
	[tilespmem:$0x18200] =	vst v63  }
0x151: {  	_ =	swait.ge [sflag:s11], $0x4000  }
0x152: {  	[sflag:s11] =	ssyncset.done $0x0  }
0x153: {  	s8 =	rddreg [dreg:$0xf];
	[sflag:s11] =	ssyncadd.s32 $0xFFFFC000  }
0x154: {  	[hbm4b:s8+s3] =	stream.linear.scatter [tilespmem:s26], [sflag:$0x8], $0x4000, $0x38;
	[tilespmem:$0x18200] =	vst v63  }
0x155: {  	_ =	swait.ge [sflag:s9], $0x4000  }
0x156: {  	[sflag:s9] =	ssyncset.done $0x0  }
0x157: {  	[sflag:s9] =	ssyncadd.s32 $0xFFFFC000  }
0x158: {  	p0 =	sne.s32 s17, $0x1;
	_ =	swait.ge [sflag:s10], $0x4000  }
.Ltmp0:
0x159: {  	[sflag:s10] =	ssyncset.done $0x0;
	(pc) =	sbr.rel @p0 .LBB2_1-.Ltmp0, $4  }
0x15a: {  	[sflag:s10] =	ssyncadd.s32 $0xFFFFC000  }
0x15b: {  	_ =	swait.ge [sflag:s12], $0x4000  }
0x15c: {  	[sflag:s12] =	ssyncset.done $0x0  }
0x15d: {  	s17 =	sadd.s32 $0xFFFFFFFF, s17;
	[sflag:s12] =	ssyncadd.s32 $0xFFFFC000  }
0x15e: {  	_ =	sfence.sel $0x180000  }
0x15f: {  	[bflag:$0x0] =	sbarrier.arrive $0xFFFF  }
0x160: {  	_ =	strace $0x90000047  }
0x161: {  	s0 =	stileid.u32;
	[bflag:$0x2] =	sbarrier.arrive $0xFFFF  }
0x162: {  	p0 =	sne.s32 s0, $0x0;
	s0 =	rddreg [dreg:$0x3]  }
0x163: {  	s0 =	sadd.s32 @!p0 $0x100000, s0  }
0x164: {  	[sflag:s0] =	ssyncadd.tile.s32 @!p0 $0x1;
	_ =	shalt  }
.Lfunc_end2:
_tile_overlayer_lowered:
.L_overlay_start_2:
0x165: {  	(tag) =	ssettag $0x2  }
0x166: {  	s0 =	rddreg [dreg:$0x0];
	s2 =	stileid.u32  }
0x167: {  	s1 =	rddreg [dreg:$0x1];
	p0 =	sne.s32 s2, $0x0  }
0x168: {  	s3 =	rddreg [dreg:$0x2];
	[bflag:$0x3] =	sbarrier.arrive $0xFFFF;
	s2 =	simm.s32 @!p0 $0x1C09  }
0x169: {  	[timem:s3], [sflag:s2] =	dma.local @!p0 [hbm:s0], s1  }
0x16a: {  	s0 =	simm.s32 @!p0 $0x9  }
0x16b: {  	_ =	swait.ge @!p0 [sflag:s0], s1  }
0x16c: {  	s1 =	ssub.s32 @!p0 $0x0, s1;
	[sflag:s0] =	ssyncset.done @!p0 $0x0  }
0x16d: {  	[sflag:s0] =	ssyncadd.s32 @!p0 s1  }
0x16e: {  	[bflag:$0x3] =	sbarrier.arrive $0xFFFF  }
0x16f: {  	_ =	shalt  }

</sc_bundles>
